<compile_context>
chip_gen: v7x
topology: tpu7x:2x2x1
jax: 0.10.2.dev20260603
libtpu: 0.0.44.dev20260713+nightly
codegen_flags: <defaults>
</compile_context>

<pallas_src>
import functools

import jax
import jax.numpy as jnp
from jax import lax
from jax.experimental import pallas as pl
from jax.experimental.pallas import tpu as pltpu
from jax.experimental.pallas import tpu_sc as plsc

_D = 64
_B = 4096
_QL = 20
_DL = 200
_TOTAL = _B * (_QL + _DL)
_NC = 2
_NS = 16
_NW = _NC * _NS
_PER_W = _TOTAL // _NW
_CHUNK = 128
_NCHUNK = _PER_W // _CHUNK
_NSLOT = 4
_LAG = 2

_mesh = plsc.VectorSubcoreMesh(core_axis_name="c", subcore_axis_name="s")


@functools.partial(
    pl.kernel,
    mesh=_mesh,
    out_type=jax.ShapeDtypeStruct((_TOTAL, _D), jnp.float32),
    scratch_types=[
        pltpu.VMEM((_PER_W,), jnp.int32),
        pltpu.VMEM((_NSLOT, _CHUNK, _D), jnp.float32),
    ]
    + [pltpu.SemaphoreType.DMA] * (2 * _NSLOT),
    compiler_params=pltpu.CompilerParams(use_tc_tiling_on_sc=False),
)
def _gather_all(idx_hbm, table_hbm, out_hbm, idx_all, rows, *sems):
    gsem = sems[:_NSLOT]
    osem = sems[_NSLOT:]
    wid = lax.axis_index("s") * _NC + lax.axis_index("c")
    base = wid * _PER_W

    pltpu.sync_copy(idx_hbm.at[pl.ds(base, _PER_W)], idx_all)

    def start_gather(c, b):
        isl = idx_all.at[pl.ds(pl.multiple_of(c * _CHUNK, _CHUNK), _CHUNK)]
        pltpu.async_copy(table_hbm.at[isl], rows.at[b], gsem[b])

    def wait_gather(c, b):
        isl = idx_all.at[pl.ds(pl.multiple_of(c * _CHUNK, _CHUNK), _CHUNK)]
        pltpu.make_async_copy(table_hbm.at[isl], rows.at[b], gsem[b]).wait()

    def start_write(c, b):
        off = pl.multiple_of(base + c * _CHUNK, _CHUNK)
        pltpu.async_copy(rows.at[b], out_hbm.at[pl.ds(off, _CHUNK)], osem[b])

    def wait_write(c, b):
        off = pl.multiple_of(base + c * _CHUNK, _CHUNK)
        pltpu.make_async_copy(
            rows.at[b], out_hbm.at[pl.ds(off, _CHUNK)], osem[b]
        ).wait()

    for b in range(_LAG):
        start_gather(b, b)
    for c in range(_LAG, _NSLOT):
        start_gather(c, c)
        wait_gather(c - _LAG, c - _LAG)
        start_write(c - _LAG, c - _LAG)

    def group(g, carry):
        for b in range(_NSLOT):
            c = g * _NSLOT + b
            wait_write(c - _NSLOT, b)
            start_gather(c, b)
            bj = (b + _NSLOT - _LAG) % _NSLOT
            wait_gather(c - _LAG, bj)
            start_write(c - _LAG, bj)
        return carry

    lax.fori_loop(1, _NCHUNK // _NSLOT, group, 0, unroll=False)

    for j in range(_NCHUNK - _LAG, _NCHUNK):
        bj = j % _NSLOT
        wait_gather(j, bj)
        start_write(j, bj)
    for b in range(_NSLOT):
        wait_write(_NCHUNK - _NSLOT + b, b)


def kernel(query_tokens, document_tokens, embedding_table):
    q = query_tokens.astype(jnp.int32)
    d = document_tokens.astype(jnp.int32)
    idx = jnp.concatenate([q, d], axis=1).reshape(_TOTAL)
    table = embedding_table.at[0].set(0.0)
    out = _gather_all(idx, table)
    return out.reshape(_B, _QL + _DL, _D)

# --- scband reference (transcript-rebuilt; emitter-appended) ---
"""Pipeline reference for scband-tk-20031727468870 (READ-ONLY COPY).

The authoritative reference and input builder live on the scoring server;
editing this copy changes nothing except your own understanding.
"""

import jax, jax.numpy as jnp
import numpy as np

VOCAB = 100000
EMBED_DIM = 64
BATCH = 4096
Q_LEN = 20
D_LEN = 200

def setup_inputs(seed: int = 0) -> dict:
    key = jax.random.key(seed)
    k1, k2, k3 = jax.random.split(key, 3)
    query_tokens = jax.random.randint(k1, (BATCH, Q_LEN), 0, VOCAB)
    document_tokens = jax.random.randint(k2, (BATCH, D_LEN), 0, VOCAB)
    embedding_table = jax.random.normal(k3, (VOCAB, EMBED_DIM), dtype=jnp.float32) * 0.02
    return {
        "query_tokens": query_tokens,
        "document_tokens": document_tokens,
        "embedding_table": embedding_table,
    }

def reference(query_tokens, document_tokens, embedding_table):
    # Faithful to TK.forward: compute pad/OOV masks (token id > 0) and run the
    # word-embedding lookups for query and document.
    query_pad_oov_mask = (query_tokens > 0).astype(jnp.float32)
    document_pad_oov_mask = (document_tokens > 0).astype(jnp.float32)
    query_embeddings = jnp.take(embedding_table, query_tokens, axis=0)
    document_embeddings = jnp.take(embedding_table, document_tokens, axis=0)
    # The original returns torch.zeros(1) (stub); we return the masked embeddings
    # concatenated along the sequence axis so the gather is live under jit.
    out = jnp.concatenate(
        [
            query_embeddings * query_pad_oov_mask[..., None],
            document_embeddings * document_pad_oov_mask[..., None],
        ],
        axis=1,
    )
    return out

if __name__ == "__main__":
    import jax
    _d = setup_inputs()
    print(jax.jit(kernel)(*tuple(_d.values())))

</pallas_src>

<mosaic_0001>
#map = affine_map<(d0, d1) -> (0)>
#map1 = affine_map<(d0, d1) -> (0, 0)>
module attributes {stable_mosaic.version = 14 : i64} {
  func.func @_gather_all(%arg0: i32, %arg1: i32, %arg2: memref<901120xi32, #tpu.memory_space<hbm>>, %arg3: memref<100000x64xf32, #tpu.memory_space<hbm>>, %arg4: memref<901120x64xf32, #tpu.memory_space<hbm>>, %arg5: memref<28160xi32, #tpu.memory_space<vmem>>, %arg6: memref<4x128x64xf32, #tpu.memory_space<vmem>>, %arg7: memref<!tpu.dma_semaphore, #tpu.memory_space<semaphore_mem>>, %arg8: memref<!tpu.dma_semaphore, #tpu.memory_space<semaphore_mem>>, %arg9: memref<!tpu.dma_semaphore, #tpu.memory_space<semaphore_mem>>, %arg10: memref<!tpu.dma_semaphore, #tpu.memory_space<semaphore_mem>>, %arg11: memref<!tpu.dma_semaphore, #tpu.memory_space<semaphore_mem>>, %arg12: memref<!tpu.dma_semaphore, #tpu.memory_space<semaphore_mem>>, %arg13: memref<!tpu.dma_semaphore, #tpu.memory_space<semaphore_mem>>, %arg14: memref<!tpu.dma_semaphore, #tpu.memory_space<semaphore_mem>>) attributes {dimension_semantics = [#tpu.dimension_semantics<core_parallel>, #tpu.dimension_semantics<subcore_parallel>], iteration_bounds = array<i64: 2, 16>, scalar_prefetch = 0 : i64, scratch_operands = 10 : i64, tpu.core_type = #tpu.core_type<sc_vector_subcore>, window_params = [{transform_indices = #map}, {transform_indices = #map1}, {transform_indices = #map1}]} {
    %mul3A = arith.constant 2 : i32
    %mul3A_0 = arith.muli %arg1, %mul3A : i32
    %add3A = arith.addi %mul3A_0, %arg0 : i32
    %mul3A_1 = arith.constant 28160 : i32
    %mul3A_2 = arith.muli %add3A, %mul3A_1 : i32
    "tpu.region"() ({
      %run_scoped3A = tpu.sem_alloc : memref<!tpu.dma_semaphore, #tpu.memory_space<semaphore_mem>>
      %dma_start3A_221 = tpu.memref_slice %arg2[%mul3A_2] : memref<901120xi32, #tpu.memory_space<hbm>> -> memref<28160xi32, #tpu.memory_space<hbm>>
      %dma_start3A_222 = tpu.memref_slice %arg2[%mul3A_2] : memref<901120xi32, #tpu.memory_space<hbm>> -> memref<28160xi32, #tpu.memory_space<hbm>>
      tpu.enqueue_dma source(%dma_start3A_222 : memref<28160xi32, #tpu.memory_space<hbm>>) target(%arg5 : memref<28160xi32, #tpu.memory_space<vmem>>) target_semaphore(%run_scoped3A : memref<!tpu.dma_semaphore, #tpu.memory_space<semaphore_mem>>)
      %dma_wait3A_223 = tpu.memref_slice %arg2[%mul3A_2] : memref<901120xi32, #tpu.memory_space<hbm>> -> memref<28160xi32, #tpu.memory_space<hbm>>
      %dma_wait3A_224 = tpu.memref_slice %arg2[%mul3A_2] : memref<901120xi32, #tpu.memory_space<hbm>> -> memref<28160xi32, #tpu.memory_space<hbm>>
      tpu.wait_dma2 semaphore(%run_scoped3A : memref<!tpu.dma_semaphore, #tpu.memory_space<semaphore_mem>>) src(%dma_wait3A_224 : memref<28160xi32, #tpu.memory_space<hbm>>) dst(%arg5 : memref<28160xi32, #tpu.memory_space<vmem>>)
      tpu.yield
    }) : () -> ()
    %multiple_of3A = arith.constant 0 : i32
    %multiple_of3A_3 = tpu.assume_multiple %multiple_of3A, 128 : i32
    %dma_start3A = arith.constant 0 : i32
    %dma_start3A_4 = arith.constant 0 : i32
    %dma_start3A_5 = arith.constant 0 : i32
    %dma_start3A_6 = tpu.memref_slice %arg6[%dma_start3A, %dma_start3A_4, %dma_start3A_5] : memref<4x128x64xf32, #tpu.memory_space<vmem>> -> memref<1x128x64xf32, #tpu.memory_space<vmem>>
    %dma_start3A_7 = tpu.memref_squeeze %dma_start3A_6 : memref<1x128x64xf32, #tpu.memory_space<vmem>> -> memref<128x64xf32, #tpu.memory_space<vmem>>
    %dma_start3A_8 = tpu.memref_slice %arg5[%multiple_of3A_3] : memref<28160xi32, #tpu.memory_space<vmem>> -> memref<128xi32, #tpu.memory_space<vmem>>
    %dma_start3A_9 = arith.constant 0 : i32
    %dma_start3A_10 = arith.constant 0 : i32
    %dma_start3A_11 = tpu.memref_slice %arg3[%dma_start3A_9, %dma_start3A_10] : memref<100000x64xf32, #tpu.memory_space<hbm>> -> memref<100000x64xf32, #tpu.memory_space<hbm>>
    tpu.enqueue_indirect_dma source(%dma_start3A_11 : memref<100000x64xf32, #tpu.memory_space<hbm>>) target(%dma_start3A_7 : memref<128x64xf32, #tpu.memory_space<vmem>>) offsets(%dma_start3A_8 : memref<128xi32, #tpu.memory_space<vmem>>) semaphore(%arg7 : memref<!tpu.dma_semaphore, #tpu.memory_space<semaphore_mem>>)
    %multiple_of3A_12 = arith.constant 128 : i32
    %multiple_of3A_13 = tpu.assume_multiple %multiple_of3A_12, 128 : i32
    %dma_start3A_14 = arith.constant 1 : i32
    %dma_start3A_15 = arith.constant 0 : i32
    %dma_start3A_16 = arith.constant 0 : i32
    %dma_start3A_17 = tpu.memref_slice %arg6[%dma_start3A_14, %dma_start3A_15, %dma_start3A_16] : memref<4x128x64xf32, #tpu.memory_space<vmem>> -> memref<1x128x64xf32, #tpu.memory_space<vmem>>
    %dma_start3A_18 = tpu.memref_squeeze %dma_start3A_17 : memref<1x128x64xf32, #tpu.memory_space<vmem>> -> memref<128x64xf32, #tpu.memory_space<vmem>>
    %dma_start3A_19 = tpu.memref_slice %arg5[%multiple_of3A_13] : memref<28160xi32, #tpu.memory_space<vmem>> -> memref<128xi32, #tpu.memory_space<vmem>>
    %dma_start3A_20 = arith.constant 0 : i32
    %dma_start3A_21 = arith.constant 0 : i32
    %dma_start3A_22 = tpu.memref_slice %arg3[%dma_start3A_20, %dma_start3A_21] : memref<100000x64xf32, #tpu.memory_space<hbm>> -> memref<100000x64xf32, #tpu.memory_space<hbm>>
    tpu.enqueue_indirect_dma source(%dma_start3A_22 : memref<100000x64xf32, #tpu.memory_space<hbm>>) target(%dma_start3A_18 : memref<128x64xf32, #tpu.memory_space<vmem>>) offsets(%dma_start3A_19 : memref<128xi32, #tpu.memory_space<vmem>>) semaphore(%arg8 : memref<!tpu.dma_semaphore, #tpu.memory_space<semaphore_mem>>)
    %multiple_of3A_23 = arith.constant 256 : i32
    %multiple_of3A_24 = tpu.assume_multiple %multiple_of3A_23, 128 : i32
    %dma_start3A_25 = arith.constant 2 : i32
    %dma_start3A_26 = arith.constant 0 : i32
    %dma_start3A_27 = arith.constant 0 : i32
    %dma_start3A_28 = tpu.memref_slice %arg6[%dma_start3A_25, %dma_start3A_26, %dma_start3A_27] : memref<4x128x64xf32, #tpu.memory_space<vmem>> -> memref<1x128x64xf32, #tpu.memory_space<vmem>>
    %dma_start3A_29 = tpu.memref_squeeze %dma_start3A_28 : memref<1x128x64xf32, #tpu.memory_space<vmem>> -> memref<128x64xf32, #tpu.memory_space<vmem>>
    %dma_start3A_30 = tpu.memref_slice %arg5[%multiple_of3A_24] : memref<28160xi32, #tpu.memory_space<vmem>> -> memref<128xi32, #tpu.memory_space<vmem>>
    %dma_start3A_31 = arith.constant 0 : i32
    %dma_start3A_32 = arith.constant 0 : i32
    %dma_start3A_33 = tpu.memref_slice %arg3[%dma_start3A_31, %dma_start3A_32] : memref<100000x64xf32, #tpu.memory_space<hbm>> -> memref<100000x64xf32, #tpu.memory_space<hbm>>
    tpu.enqueue_indirect_dma source(%dma_start3A_33 : memref<100000x64xf32, #tpu.memory_space<hbm>>) target(%dma_start3A_29 : memref<128x64xf32, #tpu.memory_space<vmem>>) offsets(%dma_start3A_30 : memref<128xi32, #tpu.memory_space<vmem>>) semaphore(%arg9 : memref<!tpu.dma_semaphore, #tpu.memory_space<semaphore_mem>>)
    %multiple_of3A_34 = arith.constant 0 : i32
    %multiple_of3A_35 = tpu.assume_multiple %multiple_of3A_34, 128 : i32
    %dma_wait3A = arith.constant 0 : i32
    %dma_wait3A_36 = arith.constant 0 : i32
    %dma_wait3A_37 = arith.constant 0 : i32
    %dma_wait3A_38 = tpu.memref_slice %arg6[%dma_wait3A, %dma_wait3A_36, %dma_wait3A_37] : memref<4x128x64xf32, #tpu.memory_space<vmem>> -> memref<1x128x64xf32, #tpu.memory_space<vmem>>
    %dma_wait3A_39 = tpu.memref_squeeze %dma_wait3A_38 : memref<1x128x64xf32, #tpu.memory_space<vmem>> -> memref<128x64xf32, #tpu.memory_space<vmem>>
    %dma_wait3A_40 = tpu.memref_slice %arg5[%multiple_of3A_35] : memref<28160xi32, #tpu.memory_space<vmem>> -> memref<128xi32, #tpu.memory_space<vmem>>
    %dma_wait3A_41 = arith.constant 0 : i32
    %dma_wait3A_42 = arith.constant 0 : i32
    %dma_wait3A_43 = tpu.memref_slice %arg3[%dma_wait3A_41, %dma_wait3A_42] : memref<100000x64xf32, #tpu.memory_space<hbm>> -> memref<100000x64xf32, #tpu.memory_space<hbm>>
    tpu.wait_indirect_dma semaphore(%arg7 : memref<!tpu.dma_semaphore, #tpu.memory_space<semaphore_mem>>) src(%dma_wait3A_43 : memref<100000x64xf32, #tpu.memory_space<hbm>>) dst(%dma_wait3A_39 : memref<128x64xf32, #tpu.memory_space<vmem>>)
    %add3A_44 = arith.constant 0 : i32
    %add3A_45 = arith.addi %mul3A_2, %add3A_44 : i32
    %multiple_of3A_46 = tpu.assume_multiple %add3A_45, 128 : i32
    %dma_start3A_47 = arith.constant 0 : i32
    %dma_start3A_48 = arith.constant 0 : i32
    %dma_start3A_49 = arith.constant 0 : i32
    %dma_start3A_50 = tpu.memref_slice %arg6[%dma_start3A_47, %dma_start3A_48, %dma_start3A_49] : memref<4x128x64xf32, #tpu.memory_space<vmem>> -> memref<1x128x64xf32, #tpu.memory_space<vmem>>
    %dma_start3A_51 = tpu.memref_squeeze %dma_start3A_50 : memref<1x128x64xf32, #tpu.memory_space<vmem>> -> memref<128x64xf32, #tpu.memory_space<vmem>>
    %dma_start3A_52 = arith.constant 0 : i32
    %dma_start3A_53 = tpu.memref_slice %arg4[%multiple_of3A_46, %dma_start3A_52] : memref<901120x64xf32, #tpu.memory_space<hbm>> -> memref<128x64xf32, #tpu.memory_space<hbm>>
    %dma_start3A_54 = arith.constant 0 : i32
    %dma_start3A_55 = tpu.memref_slice %arg4[%multiple_of3A_46, %dma_start3A_54] : memref<901120x64xf32, #tpu.memory_space<hbm>> -> memref<128x64xf32, #tpu.memory_space<hbm>>
    %dma_start3A_56 = arith.constant 0 : i32
    %dma_start3A_57 = arith.constant 0 : i32
    %dma_start3A_58 = tpu.memref_slice %arg6[%dma_start3A_47, %dma_start3A_56, %dma_start3A_57] : memref<4x128x64xf32, #tpu.memory_space<vmem>> -> memref<1x128x64xf32, #tpu.memory_space<vmem>>
    %dma_start3A_59 = tpu.memref_squeeze %dma_start3A_58 : memref<1x128x64xf32, #tpu.memory_space<vmem>> -> memref<128x64xf32, #tpu.memory_space<vmem>>
    tpu.enqueue_dma source(%dma_start3A_59 : memref<128x64xf32, #tpu.memory_space<vmem>>) target(%dma_start3A_55 : memref<128x64xf32, #tpu.memory_space<hbm>>) target_semaphore(%arg11 : memref<!tpu.dma_semaphore, #tpu.memory_space<semaphore_mem>>)
    %multiple_of3A_60 = arith.constant 384 : i32
    %multiple_of3A_61 = tpu.assume_multiple %multiple_of3A_60, 128 : i32
    %dma_start3A_62 = arith.constant 3 : i32
    %dma_start3A_63 = arith.constant 0 : i32
    %dma_start3A_64 = arith.constant 0 : i32
    %dma_start3A_65 = tpu.memref_slice %arg6[%dma_start3A_62, %dma_start3A_63, %dma_start3A_64] : memref<4x128x64xf32, #tpu.memory_space<vmem>> -> memref<1x128x64xf32, #tpu.memory_space<vmem>>
    %dma_start3A_66 = tpu.memref_squeeze %dma_start3A_65 : memref<1x128x64xf32, #tpu.memory_space<vmem>> -> memref<128x64xf32, #tpu.memory_space<vmem>>
    %dma_start3A_67 = tpu.memref_slice %arg5[%multiple_of3A_61] : memref<28160xi32, #tpu.memory_space<vmem>> -> memref<128xi32, #tpu.memory_space<vmem>>
    %dma_start3A_68 = arith.constant 0 : i32
    %dma_start3A_69 = arith.constant 0 : i32
    %dma_start3A_70 = tpu.memref_slice %arg3[%dma_start3A_68, %dma_start3A_69] : memref<100000x64xf32, #tpu.memory_space<hbm>> -> memref<100000x64xf32, #tpu.memory_space<hbm>>
    tpu.enqueue_indirect_dma source(%dma_start3A_70 : memref<100000x64xf32, #tpu.memory_space<hbm>>) target(%dma_start3A_66 : memref<128x64xf32, #tpu.memory_space<vmem>>) offsets(%dma_start3A_67 : memref<128xi32, #tpu.memory_space<vmem>>) semaphore(%arg10 : memref<!tpu.dma_semaphore, #tpu.memory_space<semaphore_mem>>)
    %multiple_of3A_71 = arith.constant 128 : i32
    %multiple_of3A_72 = tpu.assume_multiple %multiple_of3A_71, 128 : i32
    %dma_wait3A_73 = arith.constant 1 : i32
    %dma_wait3A_74 = arith.constant 0 : i32
    %dma_wait3A_75 = arith.constant 0 : i32
    %dma_wait3A_76 = tpu.memref_slice %arg6[%dma_wait3A_73, %dma_wait3A_74, %dma_wait3A_75] : memref<4x128x64xf32, #tpu.memory_space<vmem>> -> memref<1x128x64xf32, #tpu.memory_space<vmem>>
    %dma_wait3A_77 = tpu.memref_squeeze %dma_wait3A_76 : memref<1x128x64xf32, #tpu.memory_space<vmem>> -> memref<128x64xf32, #tpu.memory_space<vmem>>
    %dma_wait3A_78 = tpu.memref_slice %arg5[%multiple_of3A_72] : memref<28160xi32, #tpu.memory_space<vmem>> -> memref<128xi32, #tpu.memory_space<vmem>>
    %dma_wait3A_79 = arith.constant 0 : i32
    %dma_wait3A_80 = arith.constant 0 : i32
    %dma_wait3A_81 = tpu.memref_slice %arg3[%dma_wait3A_79, %dma_wait3A_80] : memref<100000x64xf32, #tpu.memory_space<hbm>> -> memref<100000x64xf32, #tpu.memory_space<hbm>>
    tpu.wait_indirect_dma semaphore(%arg8 : memref<!tpu.dma_semaphore, #tpu.memory_space<semaphore_mem>>) src(%dma_wait3A_81 : memref<100000x64xf32, #tpu.memory_space<hbm>>) dst(%dma_wait3A_77 : memref<128x64xf32, #tpu.memory_space<vmem>>)
    %add3A_82 = arith.constant 128 : i32
    %add3A_83 = arith.addi %mul3A_2, %add3A_82 : i32
    %multiple_of3A_84 = tpu.assume_multiple %add3A_83, 128 : i32
    %dma_start3A_85 = arith.constant 1 : i32
    %dma_start3A_86 = arith.constant 0 : i32
    %dma_start3A_87 = arith.constant 0 : i32
    %dma_start3A_88 = tpu.memref_slice %arg6[%dma_start3A_85, %dma_start3A_86, %dma_start3A_87] : memref<4x128x64xf32, #tpu.memory_space<vmem>> -> memref<1x128x64xf32, #tpu.memory_space<vmem>>
    %dma_start3A_89 = tpu.memref_squeeze %dma_start3A_88 : memref<1x128x64xf32, #tpu.memory_space<vmem>> -> memref<128x64xf32, #tpu.memory_space<vmem>>
    %dma_start3A_90 = arith.constant 0 : i32
    %dma_start3A_91 = tpu.memref_slice %arg4[%multiple_of3A_84, %dma_start3A_90] : memref<901120x64xf32, #tpu.memory_space<hbm>> -> memref<128x64xf32, #tpu.memory_space<hbm>>
    %dma_start3A_92 = arith.constant 0 : i32
    %dma_start3A_93 = tpu.memref_slice %arg4[%multiple_of3A_84, %dma_start3A_92] : memref<901120x64xf32, #tpu.memory_space<hbm>> -> memref<128x64xf32, #tpu.memory_space<hbm>>
    %dma_start3A_94 = arith.constant 0 : i32
    %dma_start3A_95 = arith.constant 0 : i32
    %dma_start3A_96 = tpu.memref_slice %arg6[%dma_start3A_85, %dma_start3A_94, %dma_start3A_95] : memref<4x128x64xf32, #tpu.memory_space<vmem>> -> memref<1x128x64xf32, #tpu.memory_space<vmem>>
    %dma_start3A_97 = tpu.memref_squeeze %dma_start3A_96 : memref<1x128x64xf32, #tpu.memory_space<vmem>> -> memref<128x64xf32, #tpu.memory_space<vmem>>
    tpu.enqueue_dma source(%dma_start3A_97 : memref<128x64xf32, #tpu.memory_space<vmem>>) target(%dma_start3A_93 : memref<128x64xf32, #tpu.memory_space<hbm>>) target_semaphore(%arg12 : memref<!tpu.dma_semaphore, #tpu.memory_space<semaphore_mem>>)
    %scan3A = arith.constant 0 : i32
    %scan3A_98 = arith.constant 1 : i32
    %scan3A_99 = arith.constant 54 : i32
    %scan3A_100 = arith.addi %scan3A_98, %scan3A_99 : i32
    %scan3A_101 = arith.constant 1 : i32
    scf.for %scan3A_221 = %scan3A_98 to %scan3A_100 step %scan3A_101  : i32 {
      %mul3A_222 = arith.constant 4 : i32
      %mul3A_223 = arith.muli %scan3A_221, %mul3A_222 : i32
      %add3A_224 = arith.constant 0 : i32
      %add3A_225 = arith.addi %mul3A_223, %add3A_224 : i32
      %sub3A = arith.constant 4 : i32
      %sub3A_226 = arith.subi %add3A_225, %sub3A : i32
      %mul3A_227 = arith.constant 128 : i32
      %mul3A_228 = arith.muli %sub3A_226, %mul3A_227 : i32
      %add3A_229 = arith.addi %mul3A_2, %mul3A_228 : i32
      %multiple_of3A_230 = tpu.assume_multiple %add3A_229, 128 : i32
      %dma_wait3A_231 = arith.constant 0 : i32
      %dma_wait3A_232 = arith.constant 0 : i32
      %dma_wait3A_233 = arith.constant 0 : i32
      %dma_wait3A_234 = tpu.memref_slice %arg6[%dma_wait3A_231, %dma_wait3A_232, %dma_wait3A_233] : memref<4x128x64xf32, #tpu.memory_space<vmem>> -> memref<1x128x64xf32, #tpu.memory_space<vmem>>
      %dma_wait3A_235 = tpu.memref_squeeze %dma_wait3A_234 : memref<1x128x64xf32, #tpu.memory_space<vmem>> -> memref<128x64xf32, #tpu.memory_space<vmem>>
      %dma_wait3A_236 = arith.constant 0 : i32
      %dma_wait3A_237 = tpu.memref_slice %arg4[%multiple_of3A_230, %dma_wait3A_236] : memref<901120x64xf32, #tpu.memory_space<hbm>> -> memref<128x64xf32, #tpu.memory_space<hbm>>
      %dma_wait3A_238 = arith.constant 0 : i32
      %dma_wait3A_239 = tpu.memref_slice %arg4[%multiple_of3A_230, %dma_wait3A_238] : memref<901120x64xf32, #tpu.memory_space<hbm>> -> memref<128x64xf32, #tpu.memory_space<hbm>>
      %dma_wait3A_240 = arith.constant 0 : i32
      %dma_wait3A_241 = arith.constant 0 : i32
      %dma_wait3A_242 = tpu.memref_slice %arg6[%dma_wait3A_231, %dma_wait3A_240, %dma_wait3A_241] : memref<4x128x64xf32, #tpu.memory_space<vmem>> -> memref<1x128x64xf32, #tpu.memory_space<vmem>>
      %dma_wait3A_243 = tpu.memref_squeeze %dma_wait3A_242 : memref<1x128x64xf32, #tpu.memory_space<vmem>> -> memref<128x64xf32, #tpu.memory_space<vmem>>
      tpu.wait_dma2 semaphore(%arg11 : memref<!tpu.dma_semaphore, #tpu.memory_space<semaphore_mem>>) src(%dma_wait3A_243 : memref<128x64xf32, #tpu.memory_space<vmem>>) dst(%dma_wait3A_239 : memref<128x64xf32, #tpu.memory_space<hbm>>)
      %mul3A_244 = arith.constant 128 : i32
      %mul3A_245 = arith.muli %add3A_225, %mul3A_244 : i32
      %multiple_of3A_246 = tpu.assume_multiple %mul3A_245, 128 : i32
      %dma_start3A_247 = arith.constant 0 : i32
      %dma_start3A_248 = arith.constant 0 : i32
      %dma_start3A_249 = arith.constant 0 : i32
      %dma_start3A_250 = tpu.memref_slice %arg6[%dma_start3A_247, %dma_start3A_248, %dma_start3A_249] : memref<4x128x64xf32, #tpu.memory_space<vmem>> -> memref<1x128x64xf32, #tpu.memory_space<vmem>>
      %dma_start3A_251 = tpu.memref_squeeze %dma_start3A_250 : memref<1x128x64xf32, #tpu.memory_space<vmem>> -> memref<128x64xf32, #tpu.memory_space<vmem>>
      %dma_start3A_252 = tpu.memref_slice %arg5[%multiple_of3A_246] : memref<28160xi32, #tpu.memory_space<vmem>> -> memref<128xi32, #tpu.memory_space<vmem>>
      %dma_start3A_253 = arith.constant 0 : i32
      %dma_start3A_254 = arith.constant 0 : i32
      %dma_start3A_255 = tpu.memref_slice %arg3[%dma_start3A_253, %dma_start3A_254] : memref<100000x64xf32, #tpu.memory_space<hbm>> -> memref<100000x64xf32, #tpu.memory_space<hbm>>
      tpu.enqueue_indirect_dma source(%dma_start3A_255 : memref<100000x64xf32, #tpu.memory_space<hbm>>) target(%dma_start3A_251 : memref<128x64xf32, #tpu.memory_space<vmem>>) offsets(%dma_start3A_252 : memref<128xi32, #tpu.memory_space<vmem>>) semaphore(%arg7 : memref<!tpu.dma_semaphore, #tpu.memory_space<semaphore_mem>>)
      %sub3A_256 = arith.constant 2 : i32
      %sub3A_257 = arith.subi %add3A_225, %sub3A_256 : i32
      %mul3A_258 = arith.constant 128 : i32
      %mul3A_259 = arith.muli %sub3A_257, %mul3A_258 : i32
      %multiple_of3A_260 = tpu.assume_multiple %mul3A_259, 128 : i32
      %dma_wait3A_261 = arith.constant 2 : i32
      %dma_wait3A_262 = arith.constant 0 : i32
      %dma_wait3A_263 = arith.constant 0 : i32
      %dma_wait3A_264 = tpu.memref_slice %arg6[%dma_wait3A_261, %dma_wait3A_262, %dma_wait3A_263] : memref<4x128x64xf32, #tpu.memory_space<vmem>> -> memref<1x128x64xf32, #tpu.memory_space<vmem>>
      %dma_wait3A_265 = tpu.memref_squeeze %dma_wait3A_264 : memref<1x128x64xf32, #tpu.memory_space<vmem>> -> memref<128x64xf32, #tpu.memory_space<vmem>>
      %dma_wait3A_266 = tpu.memref_slice %arg5[%multiple_of3A_260] : memref<28160xi32, #tpu.memory_space<vmem>> -> memref<128xi32, #tpu.memory_space<vmem>>
      %dma_wait3A_267 = arith.constant 0 : i32
      %dma_wait3A_268 = arith.constant 0 : i32
      %dma_wait3A_269 = tpu.memref_slice %arg3[%dma_wait3A_267, %dma_wait3A_268] : memref<100000x64xf32, #tpu.memory_space<hbm>> -> memref<100000x64xf32, #tpu.memory_space<hbm>>
      tpu.wait_indirect_dma semaphore(%arg9 : memref<!tpu.dma_semaphore, #tpu.memory_space<semaphore_mem>>) src(%dma_wait3A_269 : memref<100000x64xf32, #tpu.memory_space<hbm>>) dst(%dma_wait3A_265 : memref<128x64xf32, #tpu.memory_space<vmem>>)
      %sub3A_270 = arith.constant 2 : i32
      %sub3A_271 = arith.subi %add3A_225, %sub3A_270 : i32
      %mul3A_272 = arith.constant 128 : i32
      %mul3A_273 = arith.muli %sub3A_271, %mul3A_272 : i32
      %add3A_274 = arith.addi %mul3A_2, %mul3A_273 : i32
      %multiple_of3A_275 = tpu.assume_multiple %add3A_274, 128 : i32
      %dma_start3A_276 = arith.constant 2 : i32
      %dma_start3A_277 = arith.constant 0 : i32
      %dma_start3A_278 = arith.constant 0 : i32
      %dma_start3A_279 = tpu.memref_slice %arg6[%dma_start3A_276, %dma_start3A_277, %dma_start3A_278] : memref<4x128x64xf32, #tpu.memory_space<vmem>> -> memref<1x128x64xf32, #tpu.memory_space<vmem>>
      %dma_start3A_280 = tpu.memref_squeeze %dma_start3A_279 : memref<1x128x64xf32, #tpu.memory_space<vmem>> -> memref<128x64xf32, #tpu.memory_space<vmem>>
      %dma_start3A_281 = arith.constant 0 : i32
      %dma_start3A_282 = tpu.memref_slice %arg4[%multiple_of3A_275, %dma_start3A_281] : memref<901120x64xf32, #tpu.memory_space<hbm>> -> memref<128x64xf32, #tpu.memory_space<hbm>>
      %dma_start3A_283 = arith.constant 0 : i32
      %dma_start3A_284 = tpu.memref_slice %arg4[%multiple_of3A_275, %dma_start3A_283] : memref<901120x64xf32, #tpu.memory_space<hbm>> -> memref<128x64xf32, #tpu.memory_space<hbm>>
      %dma_start3A_285 = arith.constant 0 : i32
      %dma_start3A_286 = arith.constant 0 : i32
      %dma_start3A_287 = tpu.memref_slice %arg6[%dma_start3A_276, %dma_start3A_285, %dma_start3A_286] : memref<4x128x64xf32, #tpu.memory_space<vmem>> -> memref<1x128x64xf32, #tpu.memory_space<vmem>>
      %dma_start3A_288 = tpu.memref_squeeze %dma_start3A_287 : memref<1x128x64xf32, #tpu.memory_space<vmem>> -> memref<128x64xf32, #tpu.memory_space<vmem>>
      tpu.enqueue_dma source(%dma_start3A_288 : memref<128x64xf32, #tpu.memory_space<vmem>>) target(%dma_start3A_284 : memref<128x64xf32, #tpu.memory_space<hbm>>) target_semaphore(%arg13 : memref<!tpu.dma_semaphore, #tpu.memory_space<semaphore_mem>>)
      %mul3A_289 = arith.constant 4 : i32
      %mul3A_290 = arith.muli %scan3A_221, %mul3A_289 : i32
      %add3A_291 = arith.constant 1 : i32
      %add3A_292 = arith.addi %mul3A_290, %add3A_291 : i32
      %sub3A_293 = arith.constant 4 : i32
      %sub3A_294 = arith.subi %add3A_292, %sub3A_293 : i32
      %mul3A_295 = arith.constant 128 : i32
      %mul3A_296 = arith.muli %sub3A_294, %mul3A_295 : i32
      %add3A_297 = arith.addi %mul3A_2, %mul3A_296 : i32
      %multiple_of3A_298 = tpu.assume_multiple %add3A_297, 128 : i32
      %dma_wait3A_299 = arith.constant 1 : i32
      %dma_wait3A_300 = arith.constant 0 : i32
      %dma_wait3A_301 = arith.constant 0 : i32
      %dma_wait3A_302 = tpu.memref_slice %arg6[%dma_wait3A_299, %dma_wait3A_300, %dma_wait3A_301] : memref<4x128x64xf32, #tpu.memory_space<vmem>> -> memref<1x128x64xf32, #tpu.memory_space<vmem>>
      %dma_wait3A_303 = tpu.memref_squeeze %dma_wait3A_302 : memref<1x128x64xf32, #tpu.memory_space<vmem>> -> memref<128x64xf32, #tpu.memory_space<vmem>>
      %dma_wait3A_304 = arith.constant 0 : i32
      %dma_wait3A_305 = tpu.memref_slice %arg4[%multiple_of3A_298, %dma_wait3A_304] : memref<901120x64xf32, #tpu.memory_space<hbm>> -> memref<128x64xf32, #tpu.memory_space<hbm>>
      %dma_wait3A_306 = arith.constant 0 : i32
      %dma_wait3A_307 = tpu.memref_slice %arg4[%multiple_of3A_298, %dma_wait3A_306] : memref<901120x64xf32, #tpu.memory_space<hbm>> -> memref<128x64xf32, #tpu.memory_space<hbm>>
      %dma_wait3A_308 = arith.constant 0 : i32
      %dma_wait3A_309 = arith.constant 0 : i32
      %dma_wait3A_310 = tpu.memref_slice %arg6[%dma_wait3A_299, %dma_wait3A_308, %dma_wait3A_309] : memref<4x128x64xf32, #tpu.memory_space<vmem>> -> memref<1x128x64xf32, #tpu.memory_space<vmem>>
      %dma_wait3A_311 = tpu.memref_squeeze %dma_wait3A_310 : memref<1x128x64xf32, #tpu.memory_space<vmem>> -> memref<128x64xf32, #tpu.memory_space<vmem>>
      tpu.wait_dma2 semaphore(%arg12 : memref<!tpu.dma_semaphore, #tpu.memory_space<semaphore_mem>>) src(%dma_wait3A_311 : memref<128x64xf32, #tpu.memory_space<vmem>>) dst(%dma_wait3A_307 : memref<128x64xf32, #tpu.memory_space<hbm>>)
      %mul3A_312 = arith.constant 128 : i32
      %mul3A_313 = arith.muli %add3A_292, %mul3A_312 : i32
      %multiple_of3A_314 = tpu.assume_multiple %mul3A_313, 128 : i32
      %dma_start3A_315 = arith.constant 1 : i32
      %dma_start3A_316 = arith.constant 0 : i32
      %dma_start3A_317 = arith.constant 0 : i32
      %dma_start3A_318 = tpu.memref_slice %arg6[%dma_start3A_315, %dma_start3A_316, %dma_start3A_317] : memref<4x128x64xf32, #tpu.memory_space<vmem>> -> memref<1x128x64xf32, #tpu.memory_space<vmem>>
      %dma_start3A_319 = tpu.memref_squeeze %dma_start3A_318 : memref<1x128x64xf32, #tpu.memory_space<vmem>> -> memref<128x64xf32, #tpu.memory_space<vmem>>
      %dma_start3A_320 = tpu.memref_slice %arg5[%multiple_of3A_314] : memref<28160xi32, #tpu.memory_space<vmem>> -> memref<128xi32, #tpu.memory_space<vmem>>
      %dma_start3A_321 = arith.constant 0 : i32
      %dma_start3A_322 = arith.constant 0 : i32
      %dma_start3A_323 = tpu.memref_slice %arg3[%dma_start3A_321, %dma_start3A_322] : memref<100000x64xf32, #tpu.memory_space<hbm>> -> memref<100000x64xf32, #tpu.memory_space<hbm>>
      tpu.enqueue_indirect_dma source(%dma_start3A_323 : memref<100000x64xf32, #tpu.memory_space<hbm>>) target(%dma_start3A_319 : memref<128x64xf32, #tpu.memory_space<vmem>>) offsets(%dma_start3A_320 : memref<128xi32, #tpu.memory_space<vmem>>) semaphore(%arg8 : memref<!tpu.dma_semaphore, #tpu.memory_space<semaphore_mem>>)
      %sub3A_324 = arith.constant 2 : i32
      %sub3A_325 = arith.subi %add3A_292, %sub3A_324 : i32
      %mul3A_326 = arith.constant 128 : i32
      %mul3A_327 = arith.muli %sub3A_325, %mul3A_326 : i32
      %multiple_of3A_328 = tpu.assume_multiple %mul3A_327, 128 : i32
      %dma_wait3A_329 = arith.constant 3 : i32
      %dma_wait3A_330 = arith.constant 0 : i32
      %dma_wait3A_331 = arith.constant 0 : i32
      %dma_wait3A_332 = tpu.memref_slice %arg6[%dma_wait3A_329, %dma_wait3A_330, %dma_wait3A_331] : memref<4x128x64xf32, #tpu.memory_space<vmem>> -> memref<1x128x64xf32, #tpu.memory_space<vmem>>
      %dma_wait3A_333 = tpu.memref_squeeze %dma_wait3A_332 : memref<1x128x64xf32, #tpu.memory_space<vmem>> -> memref<128x64xf32, #tpu.memory_space<vmem>>
      %dma_wait3A_334 = tpu.memref_slice %arg5[%multiple_of3A_328] : memref<28160xi32, #tpu.memory_space<vmem>> -> memref<128xi32, #tpu.memory_space<vmem>>
      %dma_wait3A_335 = arith.constant 0 : i32
      %dma_wait3A_336 = arith.constant 0 : i32
      %dma_wait3A_337 = tpu.memref_slice %arg3[%dma_wait3A_335, %dma_wait3A_336] : memref<100000x64xf32, #tpu.memory_space<hbm>> -> memref<100000x64xf32, #tpu.memory_space<hbm>>
      tpu.wait_indirect_dma semaphore(%arg10 : memref<!tpu.dma_semaphore, #tpu.memory_space<semaphore_mem>>) src(%dma_wait3A_337 : memref<100000x64xf32, #tpu.memory_space<hbm>>) dst(%dma_wait3A_333 : memref<128x64xf32, #tpu.memory_space<vmem>>)
      %sub3A_338 = arith.constant 2 : i32
      %sub3A_339 = arith.subi %add3A_292, %sub3A_338 : i32
      %mul3A_340 = arith.constant 128 : i32
      %mul3A_341 = arith.muli %sub3A_339, %mul3A_340 : i32
      %add3A_342 = arith.addi %mul3A_2, %mul3A_341 : i32
      %multiple_of3A_343 = tpu.assume_multiple %add3A_342, 128 : i32
      %dma_start3A_344 = arith.constant 3 : i32
      %dma_start3A_345 = arith.constant 0 : i32
      %dma_start3A_346 = arith.constant 0 : i32
      %dma_start3A_347 = tpu.memref_slice %arg6[%dma_start3A_344, %dma_start3A_345, %dma_start3A_346] : memref<4x128x64xf32, #tpu.memory_space<vmem>> -> memref<1x128x64xf32, #tpu.memory_space<vmem>>
      %dma_start3A_348 = tpu.memref_squeeze %dma_start3A_347 : memref<1x128x64xf32, #tpu.memory_space<vmem>> -> memref<128x64xf32, #tpu.memory_space<vmem>>
      %dma_start3A_349 = arith.constant 0 : i32
      %dma_start3A_350 = tpu.memref_slice %arg4[%multiple_of3A_343, %dma_start3A_349] : memref<901120x64xf32, #tpu.memory_space<hbm>> -> memref<128x64xf32, #tpu.memory_space<hbm>>
      %dma_start3A_351 = arith.constant 0 : i32
      %dma_start3A_352 = tpu.memref_slice %arg4[%multiple_of3A_343, %dma_start3A_351] : memref<901120x64xf32, #tpu.memory_space<hbm>> -> memref<128x64xf32, #tpu.memory_space<hbm>>
      %dma_start3A_353 = arith.constant 0 : i32
      %dma_start3A_354 = arith.constant 0 : i32
      %dma_start3A_355 = tpu.memref_slice %arg6[%dma_start3A_344, %dma_start3A_353, %dma_start3A_354] : memref<4x128x64xf32, #tpu.memory_space<vmem>> -> memref<1x128x64xf32, #tpu.memory_space<vmem>>
      %dma_start3A_356 = tpu.memref_squeeze %dma_start3A_355 : memref<1x128x64xf32, #tpu.memory_space<vmem>> -> memref<128x64xf32, #tpu.memory_space<vmem>>
      tpu.enqueue_dma source(%dma_start3A_356 : memref<128x64xf32, #tpu.memory_space<vmem>>) target(%dma_start3A_352 : memref<128x64xf32, #tpu.memory_space<hbm>>) target_semaphore(%arg14 : memref<!tpu.dma_semaphore, #tpu.memory_space<semaphore_mem>>)
      %mul3A_357 = arith.constant 4 : i32
      %mul3A_358 = arith.muli %scan3A_221, %mul3A_357 : i32
      %add3A_359 = arith.constant 2 : i32
      %add3A_360 = arith.addi %mul3A_358, %add3A_359 : i32
      %sub3A_361 = arith.constant 4 : i32
      %sub3A_362 = arith.subi %add3A_360, %sub3A_361 : i32
      %mul3A_363 = arith.constant 128 : i32
      %mul3A_364 = arith.muli %sub3A_362, %mul3A_363 : i32
      %add3A_365 = arith.addi %mul3A_2, %mul3A_364 : i32
      %multiple_of3A_366 = tpu.assume_multiple %add3A_365, 128 : i32
      %dma_wait3A_367 = arith.constant 2 : i32
      %dma_wait3A_368 = arith.constant 0 : i32
      %dma_wait3A_369 = arith.constant 0 : i32
      %dma_wait3A_370 = tpu.memref_slice %arg6[%dma_wait3A_367, %dma_wait3A_368, %dma_wait3A_369] : memref<4x128x64xf32, #tpu.memory_space<vmem>> -> memref<1x128x64xf32, #tpu.memory_space<vmem>>
      %dma_wait3A_371 = tpu.memref_squeeze %dma_wait3A_370 : memref<1x128x64xf32, #tpu.memory_space<vmem>> -> memref<128x64xf32, #tpu.memory_space<vmem>>
      %dma_wait3A_372 = arith.constant 0 : i32
      %dma_wait3A_373 = tpu.memref_slice %arg4[%multiple_of3A_366, %dma_wait3A_372] : memref<901120x64xf32, #tpu.memory_space<hbm>> -> memref<128x64xf32, #tpu.memory_space<hbm>>
      %dma_wait3A_374 = arith.constant 0 : i32
      %dma_wait3A_375 = tpu.memref_slice %arg4[%multiple_of3A_366, %dma_wait3A_374] : memref<901120x64xf32, #tpu.memory_space<hbm>> -> memref<128x64xf32, #tpu.memory_space<hbm>>
      %dma_wait3A_376 = arith.constant 0 : i32
      %dma_wait3A_377 = arith.constant 0 : i32
      %dma_wait3A_378 = tpu.memref_slice %arg6[%dma_wait3A_367, %dma_wait3A_376, %dma_wait3A_377] : memref<4x128x64xf32, #tpu.memory_space<vmem>> -> memref<1x128x64xf32, #tpu.memory_space<vmem>>
      %dma_wait3A_379 = tpu.memref_squeeze %dma_wait3A_378 : memref<1x128x64xf32, #tpu.memory_space<vmem>> -> memref<128x64xf32, #tpu.memory_space<vmem>>
      tpu.wait_dma2 semaphore(%arg13 : memref<!tpu.dma_semaphore, #tpu.memory_space<semaphore_mem>>) src(%dma_wait3A_379 : memref<128x64xf32, #tpu.memory_space<vmem>>) dst(%dma_wait3A_375 : memref<128x64xf32, #tpu.memory_space<hbm>>)
      %mul3A_380 = arith.constant 128 : i32
      %mul3A_381 = arith.muli %add3A_360, %mul3A_380 : i32
      %multiple_of3A_382 = tpu.assume_multiple %mul3A_381, 128 : i32
      %dma_start3A_383 = arith.constant 2 : i32
      %dma_start3A_384 = arith.constant 0 : i32
      %dma_start3A_385 = arith.constant 0 : i32
      %dma_start3A_386 = tpu.memref_slice %arg6[%dma_start3A_383, %dma_start3A_384, %dma_start3A_385] : memref<4x128x64xf32, #tpu.memory_space<vmem>> -> memref<1x128x64xf32, #tpu.memory_space<vmem>>
      %dma_start3A_387 = tpu.memref_squeeze %dma_start3A_386 : memref<1x128x64xf32, #tpu.memory_space<vmem>> -> memref<128x64xf32, #tpu.memory_space<vmem>>
      %dma_start3A_388 = tpu.memref_slice %arg5[%multiple_of3A_382] : memref<28160xi32, #tpu.memory_space<vmem>> -> memref<128xi32, #tpu.memory_space<vmem>>
      %dma_start3A_389 = arith.constant 0 : i32
      %dma_start3A_390 = arith.constant 0 : i32
      %dma_start3A_391 = tpu.memref_slice %arg3[%dma_start3A_389, %dma_start3A_390] : memref<100000x64xf32, #tpu.memory_space<hbm>> -> memref<100000x64xf32, #tpu.memory_space<hbm>>
      tpu.enqueue_indirect_dma source(%dma_start3A_391 : memref<100000x64xf32, #tpu.memory_space<hbm>>) target(%dma_start3A_387 : memref<128x64xf32, #tpu.memory_space<vmem>>) offsets(%dma_start3A_388 : memref<128xi32, #tpu.memory_space<vmem>>) semaphore(%arg9 : memref<!tpu.dma_semaphore, #tpu.memory_space<semaphore_mem>>)
      %sub3A_392 = arith.constant 2 : i32
      %sub3A_393 = arith.subi %add3A_360, %sub3A_392 : i32
      %mul3A_394 = arith.constant 128 : i32
      %mul3A_395 = arith.muli %sub3A_393, %mul3A_394 : i32
      %multiple_of3A_396 = tpu.assume_multiple %mul3A_395, 128 : i32
      %dma_wait3A_397 = arith.constant 0 : i32
      %dma_wait3A_398 = arith.constant 0 : i32
      %dma_wait3A_399 = arith.constant 0 : i32
      %dma_wait3A_400 = tpu.memref_slice %arg6[%dma_wait3A_397, %dma_wait3A_398, %dma_wait3A_399] : memref<4x128x64xf32, #tpu.memory_space<vmem>> -> memref<1x128x64xf32, #tpu.memory_space<vmem>>
      %dma_wait3A_401 = tpu.memref_squeeze %dma_wait3A_400 : memref<1x128x64xf32, #tpu.memory_space<vmem>> -> memref<128x64xf32, #tpu.memory_space<vmem>>
      %dma_wait3A_402 = tpu.memref_slice %arg5[%multiple_of3A_396] : memref<28160xi32, #tpu.memory_space<vmem>> -> memref<128xi32, #tpu.memory_space<vmem>>
      %dma_wait3A_403 = arith.constant 0 : i32
      %dma_wait3A_404 = arith.constant 0 : i32
      %dma_wait3A_405 = tpu.memref_slice %arg3[%dma_wait3A_403, %dma_wait3A_404] : memref<100000x64xf32, #tpu.memory_space<hbm>> -> memref<100000x64xf32, #tpu.memory_space<hbm>>
      tpu.wait_indirect_dma semaphore(%arg7 : memref<!tpu.dma_semaphore, #tpu.memory_space<semaphore_mem>>) src(%dma_wait3A_405 : memref<100000x64xf32, #tpu.memory_space<hbm>>) dst(%dma_wait3A_401 : memref<128x64xf32, #tpu.memory_space<vmem>>)
      %sub3A_406 = arith.constant 2 : i32
      %sub3A_407 = arith.subi %add3A_360, %sub3A_406 : i32
      %mul3A_408 = arith.constant 128 : i32
      %mul3A_409 = arith.muli %sub3A_407, %mul3A_408 : i32
      %add3A_410 = arith.addi %mul3A_2, %mul3A_409 : i32
      %multiple_of3A_411 = tpu.assume_multiple %add3A_410, 128 : i32
      %dma_start3A_412 = arith.constant 0 : i32
      %dma_start3A_413 = arith.constant 0 : i32
      %dma_start3A_414 = arith.constant 0 : i32
      %dma_start3A_415 = tpu.memref_slice %arg6[%dma_start3A_412, %dma_start3A_413, %dma_start3A_414] : memref<4x128x64xf32, #tpu.memory_space<vmem>> -> memref<1x128x64xf32, #tpu.memory_space<vmem>>
      %dma_start3A_416 = tpu.memref_squeeze %dma_start3A_415 : memref<1x128x64xf32, #tpu.memory_space<vmem>> -> memref<128x64xf32, #tpu.memory_space<vmem>>
      %dma_start3A_417 = arith.constant 0 : i32
      %dma_start3A_418 = tpu.memref_slice %arg4[%multiple_of3A_411, %dma_start3A_417] : memref<901120x64xf32, #tpu.memory_space<hbm>> -> memref<128x64xf32, #tpu.memory_space<hbm>>
      %dma_start3A_419 = arith.constant 0 : i32
      %dma_start3A_420 = tpu.memref_slice %arg4[%multiple_of3A_411, %dma_start3A_419] : memref<901120x64xf32, #tpu.memory_space<hbm>> -> memref<128x64xf32, #tpu.memory_space<hbm>>
      %dma_start3A_421 = arith.constant 0 : i32
      %dma_start3A_422 = arith.constant 0 : i32
      %dma_start3A_423 = tpu.memref_slice %arg6[%dma_start3A_412, %dma_start3A_421, %dma_start3A_422] : memref<4x128x64xf32, #tpu.memory_space<vmem>> -> memref<1x128x64xf32, #tpu.memory_space<vmem>>
      %dma_start3A_424 = tpu.memref_squeeze %dma_start3A_423 : memref<1x128x64xf32, #tpu.memory_space<vmem>> -> memref<128x64xf32, #tpu.memory_space<vmem>>
      tpu.enqueue_dma source(%dma_start3A_424 : memref<128x64xf32, #tpu.memory_space<vmem>>) target(%dma_start3A_420 : memref<128x64xf32, #tpu.memory_space<hbm>>) target_semaphore(%arg11 : memref<!tpu.dma_semaphore, #tpu.memory_space<semaphore_mem>>)
      %mul3A_425 = arith.constant 4 : i32
      %mul3A_426 = arith.muli %scan3A_221, %mul3A_425 : i32
      %add3A_427 = arith.constant 3 : i32
      %add3A_428 = arith.addi %mul3A_426, %add3A_427 : i32
      %sub3A_429 = arith.constant 4 : i32
      %sub3A_430 = arith.subi %add3A_428, %sub3A_429 : i32
      %mul3A_431 = arith.constant 128 : i32
      %mul3A_432 = arith.muli %sub3A_430, %mul3A_431 : i32
      %add3A_433 = arith.addi %mul3A_2, %mul3A_432 : i32
      %multiple_of3A_434 = tpu.assume_multiple %add3A_433, 128 : i32
      %dma_wait3A_435 = arith.constant 3 : i32
      %dma_wait3A_436 = arith.constant 0 : i32
      %dma_wait3A_437 = arith.constant 0 : i32
      %dma_wait3A_438 = tpu.memref_slice %arg6[%dma_wait3A_435, %dma_wait3A_436, %dma_wait3A_437] : memref<4x128x64xf32, #tpu.memory_space<vmem>> -> memref<1x128x64xf32, #tpu.memory_space<vmem>>
      %dma_wait3A_439 = tpu.memref_squeeze %dma_wait3A_438 : memref<1x128x64xf32, #tpu.memory_space<vmem>> -> memref<128x64xf32, #tpu.memory_space<vmem>>
      %dma_wait3A_440 = arith.constant 0 : i32
      %dma_wait3A_441 = tpu.memref_slice %arg4[%multiple_of3A_434, %dma_wait3A_440] : memref<901120x64xf32, #tpu.memory_space<hbm>> -> memref<128x64xf32, #tpu.memory_space<hbm>>
      %dma_wait3A_442 = arith.constant 0 : i32
      %dma_wait3A_443 = tpu.memref_slice %arg4[%multiple_of3A_434, %dma_wait3A_442] : memref<901120x64xf32, #tpu.memory_space<hbm>> -> memref<128x64xf32, #tpu.memory_space<hbm>>
      %dma_wait3A_444 = arith.constant 0 : i32
      %dma_wait3A_445 = arith.constant 0 : i32
      %dma_wait3A_446 = tpu.memref_slice %arg6[%dma_wait3A_435, %dma_wait3A_444, %dma_wait3A_445] : memref<4x128x64xf32, #tpu.memory_space<vmem>> -> memref<1x128x64xf32, #tpu.memory_space<vmem>>
      %dma_wait3A_447 = tpu.memref_squeeze %dma_wait3A_446 : memref<1x128x64xf32, #tpu.memory_space<vmem>> -> memref<128x64xf32, #tpu.memory_space<vmem>>
      tpu.wait_dma2 semaphore(%arg14 : memref<!tpu.dma_semaphore, #tpu.memory_space<semaphore_mem>>) src(%dma_wait3A_447 : memref<128x64xf32, #tpu.memory_space<vmem>>) dst(%dma_wait3A_443 : memref<128x64xf32, #tpu.memory_space<hbm>>)
      %mul3A_448 = arith.constant 128 : i32
      %mul3A_449 = arith.muli %add3A_428, %mul3A_448 : i32
      %multiple_of3A_450 = tpu.assume_multiple %mul3A_449, 128 : i32
      %dma_start3A_451 = arith.constant 3 : i32
      %dma_start3A_452 = arith.constant 0 : i32
      %dma_start3A_453 = arith.constant 0 : i32
      %dma_start3A_454 = tpu.memref_slice %arg6[%dma_start3A_451, %dma_start3A_452, %dma_start3A_453] : memref<4x128x64xf32, #tpu.memory_space<vmem>> -> memref<1x128x64xf32, #tpu.memory_space<vmem>>
      %dma_start3A_455 = tpu.memref_squeeze %dma_start3A_454 : memref<1x128x64xf32, #tpu.memory_space<vmem>> -> memref<128x64xf32, #tpu.memory_space<vmem>>
      %dma_start3A_456 = tpu.memref_slice %arg5[%multiple_of3A_450] : memref<28160xi32, #tpu.memory_space<vmem>> -> memref<128xi32, #tpu.memory_space<vmem>>
      %dma_start3A_457 = arith.constant 0 : i32
      %dma_start3A_458 = arith.constant 0 : i32
      %dma_start3A_459 = tpu.memref_slice %arg3[%dma_start3A_457, %dma_start3A_458] : memref<100000x64xf32, #tpu.memory_space<hbm>> -> memref<100000x64xf32, #tpu.memory_space<hbm>>
      tpu.enqueue_indirect_dma source(%dma_start3A_459 : memref<100000x64xf32, #tpu.memory_space<hbm>>) target(%dma_start3A_455 : memref<128x64xf32, #tpu.memory_space<vmem>>) offsets(%dma_start3A_456 : memref<128xi32, #tpu.memory_space<vmem>>) semaphore(%arg10 : memref<!tpu.dma_semaphore, #tpu.memory_space<semaphore_mem>>)
      %sub3A_460 = arith.constant 2 : i32
      %sub3A_461 = arith.subi %add3A_428, %sub3A_460 : i32
      %mul3A_462 = arith.constant 128 : i32
      %mul3A_463 = arith.muli %sub3A_461, %mul3A_462 : i32
      %multiple_of3A_464 = tpu.assume_multiple %mul3A_463, 128 : i32
      %dma_wait3A_465 = arith.constant 1 : i32
      %dma_wait3A_466 = arith.constant 0 : i32
      %dma_wait3A_467 = arith.constant 0 : i32
      %dma_wait3A_468 = tpu.memref_slice %arg6[%dma_wait3A_465, %dma_wait3A_466, %dma_wait3A_467] : memref<4x128x64xf32, #tpu.memory_space<vmem>> -> memref<1x128x64xf32, #tpu.memory_space<vmem>>
      %dma_wait3A_469 = tpu.memref_squeeze %dma_wait3A_468 : memref<1x128x64xf32, #tpu.memory_space<vmem>> -> memref<128x64xf32, #tpu.memory_space<vmem>>
      %dma_wait3A_470 = tpu.memref_slice %arg5[%multiple_of3A_464] : memref<28160xi32, #tpu.memory_space<vmem>> -> memref<128xi32, #tpu.memory_space<vmem>>
      %dma_wait3A_471 = arith.constant 0 : i32
      %dma_wait3A_472 = arith.constant 0 : i32
      %dma_wait3A_473 = tpu.memref_slice %arg3[%dma_wait3A_471, %dma_wait3A_472] : memref<100000x64xf32, #tpu.memory_space<hbm>> -> memref<100000x64xf32, #tpu.memory_space<hbm>>
      tpu.wait_indirect_dma semaphore(%arg8 : memref<!tpu.dma_semaphore, #tpu.memory_space<semaphore_mem>>) src(%dma_wait3A_473 : memref<100000x64xf32, #tpu.memory_space<hbm>>) dst(%dma_wait3A_469 : memref<128x64xf32, #tpu.memory_space<vmem>>)
      %sub3A_474 = arith.constant 2 : i32
      %sub3A_475 = arith.subi %add3A_428, %sub3A_474 : i32
      %mul3A_476 = arith.constant 128 : i32
      %mul3A_477 = arith.muli %sub3A_475, %mul3A_476 : i32
      %add3A_478 = arith.addi %mul3A_2, %mul3A_477 : i32
      %multiple_of3A_479 = tpu.assume_multiple %add3A_478, 128 : i32
      %dma_start3A_480 = arith.constant 1 : i32
      %dma_start3A_481 = arith.constant 0 : i32
      %dma_start3A_482 = arith.constant 0 : i32
      %dma_start3A_483 = tpu.memref_slice %arg6[%dma_start3A_480, %dma_start3A_481, %dma_start3A_482] : memref<4x128x64xf32, #tpu.memory_space<vmem>> -> memref<1x128x64xf32, #tpu.memory_space<vmem>>
      %dma_start3A_484 = tpu.memref_squeeze %dma_start3A_483 : memref<1x128x64xf32, #tpu.memory_space<vmem>> -> memref<128x64xf32, #tpu.memory_space<vmem>>
      %dma_start3A_485 = arith.constant 0 : i32
      %dma_start3A_486 = tpu.memref_slice %arg4[%multiple_of3A_479, %dma_start3A_485] : memref<901120x64xf32, #tpu.memory_space<hbm>> -> memref<128x64xf32, #tpu.memory_space<hbm>>
      %dma_start3A_487 = arith.constant 0 : i32
      %dma_start3A_488 = tpu.memref_slice %arg4[%multiple_of3A_479, %dma_start3A_487] : memref<901120x64xf32, #tpu.memory_space<hbm>> -> memref<128x64xf32, #tpu.memory_space<hbm>>
      %dma_start3A_489 = arith.constant 0 : i32
      %dma_start3A_490 = arith.constant 0 : i32
      %dma_start3A_491 = tpu.memref_slice %arg6[%dma_start3A_480, %dma_start3A_489, %dma_start3A_490] : memref<4x128x64xf32, #tpu.memory_space<vmem>> -> memref<1x128x64xf32, #tpu.memory_space<vmem>>
      %dma_start3A_492 = tpu.memref_squeeze %dma_start3A_491 : memref<1x128x64xf32, #tpu.memory_space<vmem>> -> memref<128x64xf32, #tpu.memory_space<vmem>>
      tpu.enqueue_dma source(%dma_start3A_492 : memref<128x64xf32, #tpu.memory_space<vmem>>) target(%dma_start3A_488 : memref<128x64xf32, #tpu.memory_space<hbm>>) target_semaphore(%arg12 : memref<!tpu.dma_semaphore, #tpu.memory_space<semaphore_mem>>)
    }
    %scan3A_102 = arith.constant 54 : i32
    %multiple_of3A_103 = arith.constant 27904 : i32
    %multiple_of3A_104 = tpu.assume_multiple %multiple_of3A_103, 128 : i32
    %dma_wait3A_105 = arith.constant 2 : i32
    %dma_wait3A_106 = arith.constant 0 : i32
    %dma_wait3A_107 = arith.constant 0 : i32
    %dma_wait3A_108 = tpu.memref_slice %arg6[%dma_wait3A_105, %dma_wait3A_106, %dma_wait3A_107] : memref<4x128x64xf32, #tpu.memory_space<vmem>> -> memref<1x128x64xf32, #tpu.memory_space<vmem>>
    %dma_wait3A_109 = tpu.memref_squeeze %dma_wait3A_108 : memref<1x128x64xf32, #tpu.memory_space<vmem>> -> memref<128x64xf32, #tpu.memory_space<vmem>>
    %dma_wait3A_110 = tpu.memref_slice %arg5[%multiple_of3A_104] : memref<28160xi32, #tpu.memory_space<vmem>> -> memref<128xi32, #tpu.memory_space<vmem>>
    %dma_wait3A_111 = arith.constant 0 : i32
    %dma_wait3A_112 = arith.constant 0 : i32
    %dma_wait3A_113 = tpu.memref_slice %arg3[%dma_wait3A_111, %dma_wait3A_112] : memref<100000x64xf32, #tpu.memory_space<hbm>> -> memref<100000x64xf32, #tpu.memory_space<hbm>>
    tpu.wait_indirect_dma semaphore(%arg9 : memref<!tpu.dma_semaphore, #tpu.memory_space<semaphore_mem>>) src(%dma_wait3A_113 : memref<100000x64xf32, #tpu.memory_space<hbm>>) dst(%dma_wait3A_109 : memref<128x64xf32, #tpu.memory_space<vmem>>)
    %add3A_114 = arith.constant 27904 : i32
    %add3A_115 = arith.addi %mul3A_2, %add3A_114 : i32
    %multiple_of3A_116 = tpu.assume_multiple %add3A_115, 128 : i32
    %dma_start3A_117 = arith.constant 2 : i32
    %dma_start3A_118 = arith.constant 0 : i32
    %dma_start3A_119 = arith.constant 0 : i32
    %dma_start3A_120 = tpu.memref_slice %arg6[%dma_start3A_117, %dma_start3A_118, %dma_start3A_119] : memref<4x128x64xf32, #tpu.memory_space<vmem>> -> memref<1x128x64xf32, #tpu.memory_space<vmem>>
    %dma_start3A_121 = tpu.memref_squeeze %dma_start3A_120 : memref<1x128x64xf32, #tpu.memory_space<vmem>> -> memref<128x64xf32, #tpu.memory_space<vmem>>
    %dma_start3A_122 = arith.constant 0 : i32
    %dma_start3A_123 = tpu.memref_slice %arg4[%multiple_of3A_116, %dma_start3A_122] : memref<901120x64xf32, #tpu.memory_space<hbm>> -> memref<128x64xf32, #tpu.memory_space<hbm>>
    %dma_start3A_124 = arith.constant 0 : i32
    %dma_start3A_125 = tpu.memref_slice %arg4[%multiple_of3A_116, %dma_start3A_124] : memref<901120x64xf32, #tpu.memory_space<hbm>> -> memref<128x64xf32, #tpu.memory_space<hbm>>
    %dma_start3A_126 = arith.constant 0 : i32
    %dma_start3A_127 = arith.constant 0 : i32
    %dma_start3A_128 = tpu.memref_slice %arg6[%dma_start3A_117, %dma_start3A_126, %dma_start3A_127] : memref<4x128x64xf32, #tpu.memory_space<vmem>> -> memref<1x128x64xf32, #tpu.memory_space<vmem>>
    %dma_start3A_129 = tpu.memref_squeeze %dma_start3A_128 : memref<1x128x64xf32, #tpu.memory_space<vmem>> -> memref<128x64xf32, #tpu.memory_space<vmem>>
    tpu.enqueue_dma source(%dma_start3A_129 : memref<128x64xf32, #tpu.memory_space<vmem>>) target(%dma_start3A_125 : memref<128x64xf32, #tpu.memory_space<hbm>>) target_semaphore(%arg13 : memref<!tpu.dma_semaphore, #tpu.memory_space<semaphore_mem>>)
    %multiple_of3A_130 = arith.constant 28032 : i32
    %multiple_of3A_131 = tpu.assume_multiple %multiple_of3A_130, 128 : i32
    %dma_wait3A_132 = arith.constant 3 : i32
    %dma_wait3A_133 = arith.constant 0 : i32
    %dma_wait3A_134 = arith.constant 0 : i32
    %dma_wait3A_135 = tpu.memref_slice %arg6[%dma_wait3A_132, %dma_wait3A_133, %dma_wait3A_134] : memref<4x128x64xf32, #tpu.memory_space<vmem>> -> memref<1x128x64xf32, #tpu.memory_space<vmem>>
    %dma_wait3A_136 = tpu.memref_squeeze %dma_wait3A_135 : memref<1x128x64xf32, #tpu.memory_space<vmem>> -> memref<128x64xf32, #tpu.memory_space<vmem>>
    %dma_wait3A_137 = tpu.memref_slice %arg5[%multiple_of3A_131] : memref<28160xi32, #tpu.memory_space<vmem>> -> memref<128xi32, #tpu.memory_space<vmem>>
    %dma_wait3A_138 = arith.constant 0 : i32
    %dma_wait3A_139 = arith.constant 0 : i32
    %dma_wait3A_140 = tpu.memref_slice %arg3[%dma_wait3A_138, %dma_wait3A_139] : memref<100000x64xf32, #tpu.memory_space<hbm>> -> memref<100000x64xf32, #tpu.memory_space<hbm>>
    tpu.wait_indirect_dma semaphore(%arg10 : memref<!tpu.dma_semaphore, #tpu.memory_space<semaphore_mem>>) src(%dma_wait3A_140 : memref<100000x64xf32, #tpu.memory_space<hbm>>) dst(%dma_wait3A_136 : memref<128x64xf32, #tpu.memory_space<vmem>>)
    %add3A_141 = arith.constant 28032 : i32
    %add3A_142 = arith.addi %mul3A_2, %add3A_141 : i32
    %multiple_of3A_143 = tpu.assume_multiple %add3A_142, 128 : i32
    %dma_start3A_144 = arith.constant 3 : i32
    %dma_start3A_145 = arith.constant 0 : i32
    %dma_start3A_146 = arith.constant 0 : i32
    %dma_start3A_147 = tpu.memref_slice %arg6[%dma_start3A_144, %dma_start3A_145, %dma_start3A_146] : memref<4x128x64xf32, #tpu.memory_space<vmem>> -> memref<1x128x64xf32, #tpu.memory_space<vmem>>
    %dma_start3A_148 = tpu.memref_squeeze %dma_start3A_147 : memref<1x128x64xf32, #tpu.memory_space<vmem>> -> memref<128x64xf32, #tpu.memory_space<vmem>>
    %dma_start3A_149 = arith.constant 0 : i32
    %dma_start3A_150 = tpu.memref_slice %arg4[%multiple_of3A_143, %dma_start3A_149] : memref<901120x64xf32, #tpu.memory_space<hbm>> -> memref<128x64xf32, #tpu.memory_space<hbm>>
    %dma_start3A_151 = arith.constant 0 : i32
    %dma_start3A_152 = tpu.memref_slice %arg4[%multiple_of3A_143, %dma_start3A_151] : memref<901120x64xf32, #tpu.memory_space<hbm>> -> memref<128x64xf32, #tpu.memory_space<hbm>>
    %dma_start3A_153 = arith.constant 0 : i32
    %dma_start3A_154 = arith.constant 0 : i32
    %dma_start3A_155 = tpu.memref_slice %arg6[%dma_start3A_144, %dma_start3A_153, %dma_start3A_154] : memref<4x128x64xf32, #tpu.memory_space<vmem>> -> memref<1x128x64xf32, #tpu.memory_space<vmem>>
    %dma_start3A_156 = tpu.memref_squeeze %dma_start3A_155 : memref<1x128x64xf32, #tpu.memory_space<vmem>> -> memref<128x64xf32, #tpu.memory_space<vmem>>
    tpu.enqueue_dma source(%dma_start3A_156 : memref<128x64xf32, #tpu.memory_space<vmem>>) target(%dma_start3A_152 : memref<128x64xf32, #tpu.memory_space<hbm>>) target_semaphore(%arg14 : memref<!tpu.dma_semaphore, #tpu.memory_space<semaphore_mem>>)
    %add3A_157 = arith.constant 27648 : i32
    %add3A_158 = arith.addi %mul3A_2, %add3A_157 : i32
    %multiple_of3A_159 = tpu.assume_multiple %add3A_158, 128 : i32
    %dma_wait3A_160 = arith.constant 0 : i32
    %dma_wait3A_161 = arith.constant 0 : i32
    %dma_wait3A_162 = arith.constant 0 : i32
    %dma_wait3A_163 = tpu.memref_slice %arg6[%dma_wait3A_160, %dma_wait3A_161, %dma_wait3A_162] : memref<4x128x64xf32, #tpu.memory_space<vmem>> -> memref<1x128x64xf32, #tpu.memory_space<vmem>>
    %dma_wait3A_164 = tpu.memref_squeeze %dma_wait3A_163 : memref<1x128x64xf32, #tpu.memory_space<vmem>> -> memref<128x64xf32, #tpu.memory_space<vmem>>
    %dma_wait3A_165 = arith.constant 0 : i32
    %dma_wait3A_166 = tpu.memref_slice %arg4[%multiple_of3A_159, %dma_wait3A_165] : memref<901120x64xf32, #tpu.memory_space<hbm>> -> memref<128x64xf32, #tpu.memory_space<hbm>>
    %dma_wait3A_167 = arith.constant 0 : i32
    %dma_wait3A_168 = tpu.memref_slice %arg4[%multiple_of3A_159, %dma_wait3A_167] : memref<901120x64xf32, #tpu.memory_space<hbm>> -> memref<128x64xf32, #tpu.memory_space<hbm>>
    %dma_wait3A_169 = arith.constant 0 : i32
    %dma_wait3A_170 = arith.constant 0 : i32
    %dma_wait3A_171 = tpu.memref_slice %arg6[%dma_wait3A_160, %dma_wait3A_169, %dma_wait3A_170] : memref<4x128x64xf32, #tpu.memory_space<vmem>> -> memref<1x128x64xf32, #tpu.memory_space<vmem>>
    %dma_wait3A_172 = tpu.memref_squeeze %dma_wait3A_171 : memref<1x128x64xf32, #tpu.memory_space<vmem>> -> memref<128x64xf32, #tpu.memory_space<vmem>>
    tpu.wait_dma2 semaphore(%arg11 : memref<!tpu.dma_semaphore, #tpu.memory_space<semaphore_mem>>) src(%dma_wait3A_172 : memref<128x64xf32, #tpu.memory_space<vmem>>) dst(%dma_wait3A_168 : memref<128x64xf32, #tpu.memory_space<hbm>>)
    %add3A_173 = arith.constant 27776 : i32
    %add3A_174 = arith.addi %mul3A_2, %add3A_173 : i32
    %multiple_of3A_175 = tpu.assume_multiple %add3A_174, 128 : i32
    %dma_wait3A_176 = arith.constant 1 : i32
    %dma_wait3A_177 = arith.constant 0 : i32
    %dma_wait3A_178 = arith.constant 0 : i32
    %dma_wait3A_179 = tpu.memref_slice %arg6[%dma_wait3A_176, %dma_wait3A_177, %dma_wait3A_178] : memref<4x128x64xf32, #tpu.memory_space<vmem>> -> memref<1x128x64xf32, #tpu.memory_space<vmem>>
    %dma_wait3A_180 = tpu.memref_squeeze %dma_wait3A_179 : memref<1x128x64xf32, #tpu.memory_space<vmem>> -> memref<128x64xf32, #tpu.memory_space<vmem>>
    %dma_wait3A_181 = arith.constant 0 : i32
    %dma_wait3A_182 = tpu.memref_slice %arg4[%multiple_of3A_175, %dma_wait3A_181] : memref<901120x64xf32, #tpu.memory_space<hbm>> -> memref<128x64xf32, #tpu.memory_space<hbm>>
    %dma_wait3A_183 = arith.constant 0 : i32
    %dma_wait3A_184 = tpu.memref_slice %arg4[%multiple_of3A_175, %dma_wait3A_183] : memref<901120x64xf32, #tpu.memory_space<hbm>> -> memref<128x64xf32, #tpu.memory_space<hbm>>
    %dma_wait3A_185 = arith.constant 0 : i32
    %dma_wait3A_186 = arith.constant 0 : i32
    %dma_wait3A_187 = tpu.memref_slice %arg6[%dma_wait3A_176, %dma_wait3A_185, %dma_wait3A_186] : memref<4x128x64xf32, #tpu.memory_space<vmem>> -> memref<1x128x64xf32, #tpu.memory_space<vmem>>
    %dma_wait3A_188 = tpu.memref_squeeze %dma_wait3A_187 : memref<1x128x64xf32, #tpu.memory_space<vmem>> -> memref<128x64xf32, #tpu.memory_space<vmem>>
    tpu.wait_dma2 semaphore(%arg12 : memref<!tpu.dma_semaphore, #tpu.memory_space<semaphore_mem>>) src(%dma_wait3A_188 : memref<128x64xf32, #tpu.memory_space<vmem>>) dst(%dma_wait3A_184 : memref<128x64xf32, #tpu.memory_space<hbm>>)
    %add3A_189 = arith.constant 27904 : i32
    %add3A_190 = arith.addi %mul3A_2, %add3A_189 : i32
    %multiple_of3A_191 = tpu.assume_multiple %add3A_190, 128 : i32
    %dma_wait3A_192 = arith.constant 2 : i32
    %dma_wait3A_193 = arith.constant 0 : i32
    %dma_wait3A_194 = arith.constant 0 : i32
    %dma_wait3A_195 = tpu.memref_slice %arg6[%dma_wait3A_192, %dma_wait3A_193, %dma_wait3A_194] : memref<4x128x64xf32, #tpu.memory_space<vmem>> -> memref<1x128x64xf32, #tpu.memory_space<vmem>>
    %dma_wait3A_196 = tpu.memref_squeeze %dma_wait3A_195 : memref<1x128x64xf32, #tpu.memory_space<vmem>> -> memref<128x64xf32, #tpu.memory_space<vmem>>
    %dma_wait3A_197 = arith.constant 0 : i32
    %dma_wait3A_198 = tpu.memref_slice %arg4[%multiple_of3A_191, %dma_wait3A_197] : memref<901120x64xf32, #tpu.memory_space<hbm>> -> memref<128x64xf32, #tpu.memory_space<hbm>>
    %dma_wait3A_199 = arith.constant 0 : i32
    %dma_wait3A_200 = tpu.memref_slice %arg4[%multiple_of3A_191, %dma_wait3A_199] : memref<901120x64xf32, #tpu.memory_space<hbm>> -> memref<128x64xf32, #tpu.memory_space<hbm>>
    %dma_wait3A_201 = arith.constant 0 : i32
    %dma_wait3A_202 = arith.constant 0 : i32
    %dma_wait3A_203 = tpu.memref_slice %arg6[%dma_wait3A_192, %dma_wait3A_201, %dma_wait3A_202] : memref<4x128x64xf32, #tpu.memory_space<vmem>> -> memref<1x128x64xf32, #tpu.memory_space<vmem>>
    %dma_wait3A_204 = tpu.memref_squeeze %dma_wait3A_203 : memref<1x128x64xf32, #tpu.memory_space<vmem>> -> memref<128x64xf32, #tpu.memory_space<vmem>>
    tpu.wait_dma2 semaphore(%arg13 : memref<!tpu.dma_semaphore, #tpu.memory_space<semaphore_mem>>) src(%dma_wait3A_204 : memref<128x64xf32, #tpu.memory_space<vmem>>) dst(%dma_wait3A_200 : memref<128x64xf32, #tpu.memory_space<hbm>>)
    %add3A_205 = arith.constant 28032 : i32
    %add3A_206 = arith.addi %mul3A_2, %add3A_205 : i32
    %multiple_of3A_207 = tpu.assume_multiple %add3A_206, 128 : i32
    %dma_wait3A_208 = arith.constant 3 : i32
    %dma_wait3A_209 = arith.constant 0 : i32
    %dma_wait3A_210 = arith.constant 0 : i32
    %dma_wait3A_211 = tpu.memref_slice %arg6[%dma_wait3A_208, %dma_wait3A_209, %dma_wait3A_210] : memref<4x128x64xf32, #tpu.memory_space<vmem>> -> memref<1x128x64xf32, #tpu.memory_space<vmem>>
    %dma_wait3A_212 = tpu.memref_squeeze %dma_wait3A_211 : memref<1x128x64xf32, #tpu.memory_space<vmem>> -> memref<128x64xf32, #tpu.memory_space<vmem>>
    %dma_wait3A_213 = arith.constant 0 : i32
    %dma_wait3A_214 = tpu.memref_slice %arg4[%multiple_of3A_207, %dma_wait3A_213] : memref<901120x64xf32, #tpu.memory_space<hbm>> -> memref<128x64xf32, #tpu.memory_space<hbm>>
    %dma_wait3A_215 = arith.constant 0 : i32
    %dma_wait3A_216 = tpu.memref_slice %arg4[%multiple_of3A_207, %dma_wait3A_215] : memref<901120x64xf32, #tpu.memory_space<hbm>> -> memref<128x64xf32, #tpu.memory_space<hbm>>
    %dma_wait3A_217 = arith.constant 0 : i32
    %dma_wait3A_218 = arith.constant 0 : i32
    %dma_wait3A_219 = tpu.memref_slice %arg6[%dma_wait3A_208, %dma_wait3A_217, %dma_wait3A_218] : memref<4x128x64xf32, #tpu.memory_space<vmem>> -> memref<1x128x64xf32, #tpu.memory_space<vmem>>
    %dma_wait3A_220 = tpu.memref_squeeze %dma_wait3A_219 : memref<1x128x64xf32, #tpu.memory_space<vmem>> -> memref<128x64xf32, #tpu.memory_space<vmem>>
    tpu.wait_dma2 semaphore(%arg14 : memref<!tpu.dma_semaphore, #tpu.memory_space<semaphore_mem>>) src(%dma_wait3A_220 : memref<128x64xf32, #tpu.memory_space<vmem>>) dst(%dma_wait3A_216 : memref<128x64xf32, #tpu.memory_space<hbm>>)
    return
  }
}

</mosaic_0001>

<sc_bundles>
// kernel: kernel.3.cloned.1.call-start
scs
__scs_entry_jumppad:
0x0: {  	(pc) =	sbr.rel $0x88, $3  }
0x1: {  	(tag) =	ssettag $0x0;
	lr =	simm.s32 $0x1  }
0x2: {  	[smem:$0x3F9E] =	sst lr;
	_ =	strace $0xD0000000  }
0x3: {  	_ = 	snop  }
0x4: {  	_ = 	snop  }
0x5: {  	_ = 	snop  }
0x6: {  	_ = 	snop  }
0x7: {  	_ = 	snop  }
__scs_overlays_trampoline_lowered:
0x8: {  	[smem:$0x3FAD] =	sst s0  }
0x9: {  	[smem:$0x3FAE] =	sst s1  }
0xa: {  	[smem:$0x3FAF] =	sst s2  }
0xb: {  	[smem:$0x3FB0] =	sst s3  }
0xc: {  	[smem:$0x3FB1] =	sst s4  }
0xd: {  	[smem:$0x3FB2] =	sst s5  }
0xe: {  	[smem:$0x3FB3] =	sst s6  }
0xf: {  	[smem:$0x3FB4] =	sst s7  }
0x10: {  	[smem:$0x3FB5] =	sst s8  }
0x11: {  	[smem:$0x3FB6] =	sst s9;
	s0 =	simm.s32 @!p0 $0x0  }
0x12: {  	s1 =	sld [smem:$0x3F9C];
	s0 =	simm.s32 @p0 $0x1  }
0x13: {  	[smem:$0x3FB7] =	sst s0;
	s0 =	simm.s32 @!p1 $0x0  }
0x14: {  	s2 =	sld [smem:$0x3F9B];
	s0 =	simm.s32 @p1 $0x1  }
0x15: {  	[smem:$0x3FB8] =	sst s0;
	s0 =	simm.s32 @!p2 $0x0  }
0x16: {  	s3 =	sld [smem:$0x3FDB];
	s0 =	simm.s32 @p2 $0x1  }
0x17: {  	s4 =	simm.s32 $0x1BF5;
	[smem:$0x3FBA] =	sst s0  }
0x18: {  	s0 =	sld [smem:$0x3F9D];
	_ =	swait.ge [sflag:s4], $0x0  }
0x19: {  	s7 =	sld [smem:$0x3F9E]  }
0x1a: {  	s8 =	sadd.s32 $0xFFFFE003, lr  }
0x1b: {  	s9 =	sadd.s32 $0xFFFFFEF7, lr;
	s5 =	simm.s32 $0xFFFFFFFF;
	p2 =	slt.u32 s8, $0xFFFFF086  }
0x1c: {  	p1 =	slt.u32 s9, $0xF7A;
	s5 =	simm.s32 @!p2 $0x0  }
0x1d: {  	s5 =	simm.s32 @p1 $0x1;
	p0 =	seq.s32 s7, s2  }
0x1e: {  	s7 =	smul.u32 @!p0 $0xF7A, s2;
	p2 =	seq.s32 @!p0 s5, $0x0  }
0x1f: {  	s9 =	smul.u32 $0xF7A, s1;
	s8 =	simm.s32 @!p0 $0x1BF5;
	p2 =	por !p2, p0  }
0x20: {  	[sflag:s8] =	ssyncset.s32 @!p0 $0xFFFFF086;
	s6 =	sadd.s32 @!p0 s3, s7;
	s7 =	simm.s32 @!p0 $0x108  }
0x21: {  	s3 =	sadd.s32 s3, s9;
	s6 =	sadd.s32 @!p0 $0x88, s6;
	s7 =	simm.s32 @p2 $0x1082  }
0x22: {  	[simem:s7], [sflag:s8] =	dma.local @!p0 [hbm:s6], $0xF7A  }
0x23: {  	s9 =	sor.u32 $0xD0000000, s2;
	s6 =	simm.s32 $0x108;
	_ =	swait.ge @!p0 [sflag:s8], $0x0  }
0x24: {  	s3 =	sadd.s32 $0x88, s3;
	s6 =	simm.s32 @!p1 $0x1082;
	[sflag:s4] =	ssyncset.s32 $0xFFFFF086  }
0x25: {  	[simem:s6], [sflag:s4] =	dma.local [hbm:s3], $0xF7A  }
0x26: {  	[smem:$0x3F9E] =	sst s1;
	(tag) =	ssettag s2;
	_ =	strace s9  }
0x27: {  	s1 =	sld [smem:$0x3FAE]  }
0x28: {  	s2 =	sld [smem:$0x3FAF]  }
0x29: {  	s4 =	sld [smem:$0x3FB1]  }
0x2a: {  	p0 =	seq.s32 s5, $0x0;
	s5 =	sld [smem:$0x3FB2]  }
0x2b: {  	s6 =	sld [smem:$0x3FB3]  }
0x2c: {  	s7 =	sld [smem:$0x3FB4]  }
0x2d: {  	s3 =	simm.s32 $0x108;
	s8 =	sld [smem:$0x3FB5]  }
0x2e: {  	s3 =	simm.s32 @!p0 $0x1082;
	s9 =	sld [smem:$0x3FB6]  }
0x2f: {  	lr =	sadd.s32 s0, s3;
	s0 =	sld [smem:$0x3FAD]  }
0x30: {  	s3 =	sld [smem:$0x3FB0]  }
0x31: {  	[smem:$0x3FB9] =	sst s10  }
0x32: {  	s10 =	sld [smem:$0x3FB7];
	_ =	sdelay $0x3  }
0x33: {  	p0 =	seq.s32 s10, $0x1;
	s10 =	sld [smem:$0x3FB9];
	_ =	sdelay $0x3  }
0x34: {  	[smem:$0x3FB9] =	sst s10  }
0x35: {  	s10 =	sld [smem:$0x3FB8];
	_ =	sdelay $0x3  }
0x36: {  	p1 =	seq.s32 s10, $0x1;
	s10 =	sld [smem:$0x3FB9];
	_ =	sdelay $0x3  }
0x37: {  	[smem:$0x3FB9] =	sst s10  }
0x38: {  	s10 =	sld [smem:$0x3FBA]  }
0x39: {  	_ = 	snop;
	(pc) =	sbr.ind lr, $3  }
0x3a: {  	_ = 	snop  }
0x3b: {  	_ = 	snop  }
0x3c: {  	p2 =	seq.s32 s10, $0x1;
	s10 =	sld [smem:$0x3FB9]  }
0x3d: {  	_ =	shalt  }
0x3e: {  	_ =	shalt  }
0x3f: {  	_ =	shalt  }
0x40: {  	_ =	shalt  }
0x41: {  	_ =	shalt  }
0x42: {  	_ =	shalt  }
0x43: {  	_ =	shalt  }
0x44: {  	_ =	shalt  }
0x45: {  	_ =	shalt  }
0x46: {  	_ =	shalt  }
0x47: {  	_ =	shalt  }
0x48: {  	_ =	shalt  }
0x49: {  	_ =	shalt  }
0x4a: {  	_ =	shalt  }
0x4b: {  	_ =	shalt  }
0x4c: {  	_ =	shalt  }
0x4d: {  	_ =	shalt  }
0x4e: {  	_ =	shalt  }
0x4f: {  	_ =	shalt  }
0x50: {  	_ =	shalt  }
0x51: {  	_ =	shalt  }
0x52: {  	_ =	shalt  }
0x53: {  	_ =	shalt  }
0x54: {  	_ =	shalt  }
0x55: {  	_ =	shalt  }
0x56: {  	_ =	shalt  }
0x57: {  	_ =	shalt  }
0x58: {  	_ =	shalt  }
0x59: {  	_ =	shalt  }
0x5a: {  	_ =	shalt  }
0x5b: {  	_ =	shalt  }
0x5c: {  	_ =	shalt  }
0x5d: {  	_ =	shalt  }
0x5e: {  	_ =	shalt  }
0x5f: {  	_ =	shalt  }
0x60: {  	_ =	shalt  }
0x61: {  	_ =	shalt  }
0x62: {  	_ =	shalt  }
0x63: {  	_ =	shalt  }
0x64: {  	_ =	shalt  }
0x65: {  	_ =	shalt  }
0x66: {  	_ =	shalt  }
0x67: {  	_ =	shalt  }
0x68: {  	_ =	shalt  }
0x69: {  	_ =	shalt  }
0x6a: {  	_ =	shalt  }
0x6b: {  	_ =	shalt  }
0x6c: {  	_ =	shalt  }
0x6d: {  	_ =	shalt  }
0x6e: {  	_ =	shalt  }
0x6f: {  	_ =	shalt  }
0x70: {  	_ =	shalt  }
0x71: {  	_ =	shalt  }
0x72: {  	_ =	shalt  }
0x73: {  	_ =	shalt  }
0x74: {  	_ =	shalt  }
0x75: {  	_ =	shalt  }
0x76: {  	_ =	shalt  }
0x77: {  	_ =	shalt  }
0x78: {  	_ =	shalt  }
0x79: {  	_ =	shalt  }
0x7a: {  	_ =	shalt  }
0x7b: {  	_ =	shalt  }
0x7c: {  	_ =	shalt  }
0x7d: {  	_ =	shalt  }
0x7e: {  	_ =	shalt  }
0x7f: {  	_ =	shalt  }
0x80: {  	_ =	shalt  }
0x81: {  	_ =	shalt  }
0x82: {  	_ =	shalt  }
0x83: {  	_ =	shalt  }
0x84: {  	_ =	shalt  }
0x85: {  	_ =	shalt  }
0x86: {  	_ =	shalt  }
0x87: {  	_ =	shalt  }
.Lfunc_end0:
.L_simem_size_0:
called_computation.1_lowered:
.L_overlay_start_0:
0x88: {  	s2 =	sld [smem:$0x3FD9]  }
0x89: {  	s3 =	sld [smem:$0x3FFE];
	_ =	sdelay $0x1  }
0x8a: {  	s1 =	srdreg.scid  }
0x8b: {  	s0 =	sand.u32 $0x1, s1  }
0x8c: {  	s17 =	sshll.u32 s0, $0xA;
	s2 =	sadd.s32 s3, s2  }
0x8d: {  	s2 =	sadd.s32 s2, s17  }
0x8e: {  	[smem:$0x3FC5] =	sst s2  }
0x8f: {  	_ = 	snop  }
0x90: {  	s2 =	sld [smem:$0x3FD0];
	(tm) =	ssettm $0x1  }
0x91: {  	s18 =	sld [smem:$0x3FFB];
	_ =	sdelay $0x3  }
0x92: {  	_ =	strace s18  }
0x93: {  	s3 =	sld [smem:$0x3FFC];
	_ =	sdelay $0x3  }
0x94: {  	_ =	strace s3  }
0x95: {  	s3 =	sld [smem:$0x3FFD];
	_ =	sdelay $0x3  }
0x96: {  	_ =	strace s3  }
0x97: {  	_ =	strace $0x8FFFFFFF  }
0x98: {  	s19 =	sld [smem:$0x3FDB];
	_ =	sdelay $0x1  }
0x99: {  	s4 =	simm.s32 $_scs_section_size  }
0x9a: {  	s5 =	simm.s32 $_size__tile_overlayer_lowered;
	s6 =	simm.s32 $_tile_overlayer_lowered  }
0x9b: {  	s22 =	simm.s32 $0x1BFF;
	s21 =	sshll.u32 s6, $0x1;
	s3 =	sadd.s32 s4, s19  }
0x9c: {  	s7 =	simm.s32 $0x0;
	s20 =	sshll.u32 s5, $0x1;
	s5 =	sadd.s32 s21, s3  }
0x9d: {  	[timem:s7], [sflag:s22] =	dma.local [hbm:s5], s20  }
0x9e: {  	_ =	swait.ge [sflag:s22], s20  }
0x9f: {  	s4 =	ssub.s32 $0x0, s20;
	[sflag:s22] =	ssyncset.done $0x0  }
0xa0: {  	[sflag:s22] =	ssyncadd.s32 s4;
	_ =	sdelay $0x1  }
0xa1: {  	s23 =	simm.s32 $0x1B8B  }
0xa2: {  	_ =	swait.ge [sflag:s23], $0x1  }
0xa3: {  	[sflag:s23] =	ssyncset.done $0x0  }
0xa4: {  	s25 =	simm.s32 $0x1B8E;
	s24 =	sld [smem:$0x3FFE];
	[sflag:s23] =	ssyncadd.s32 $0xFFFFFFFF  }
0xa5: {  	s26 =	simm.s32 $execute0_lowered;
	[smem:$0x3FD2] =	sst s25  }
0xa6: {  	s5 =	sshll.u32 s26, $0x1;
	_ =	strace $0x80000046;
	[dreg:$0x1] =	wrdreg $0xFFFFFFFF  }
0xa7: {  	s28 =	simm.s32 $_size_execute0_lowered;
	s3 =	sadd.s32 s3, s5;
	[dreg:$0x0] =	wrdreg $0x0  }
0xa8: {  	s5 =	sshll.u32 s28, $0x1;
	[dreg:$0x2] =	wrdreg s3  }
0xa9: {  	[dreg:$0x3] =	wrdreg s5  }
0xaa: {  	[dreg:$0x4] =	wrdreg $0xC0  }
0xab: {  	_ =	task [dreg:s7], $0x5FFFF  }
0xac: {  	[dreg:$0x1] =	wrdreg $0xFFFFFFFF  }
0xad: {  	[dreg:$0x0] =	wrdreg $0x60  }
0xae: {  	[dreg:$0x2] =	wrdreg s24  }
0xaf: {  	[dreg:$0x3] =	wrdreg s2  }
0xb0: {  	[dreg:$0x4] =	wrdreg $0x9  }
0xb1: {  	_ =	task.clear_ibuf [dreg:s7], $0x5FFFF;
	_ =	strace $0x90000046  }
0xb2: {  	s29 =	simm.s32 $0x9;
	_ =	strace $0x80000048  }
0xb3: {  	_ =	swait.ge [sflag:s29], $0x1  }
0xb4: {  	[sflag:s29] =	ssyncadd.s32 $0xFFFFFFFF  }
0xb5: {  	_ =	strace $0x90000048  }
0xb6: {  	_ =	sfence  }
0xb7: {  	s30 =	sld [smem:$0x0];
	_ =	sdelay $0x2  }
0xb8: {  	s31 =	sshll.u32 s1, $0xD;
	s1 =	sshrl.u32 s1, $0x2  }
0xb9: {  	s3 =	sand.u32 $0x4000, s31;
	s1 =	sadd.s32 s1, s30  }
0xba: {  	s0 =	sor.u32 s3, s0;
	s1 =	sshll.u32 s1, $0x11  }
0xbb: {  	s0 =	sor.u32 s1, s0  }
0xbc: {  	s0 =	sadd.s32 $0x8F2B, s0  }
0xbd: {  	[sflag:s0] =	ssyncadd.remote.s32 $0x1  }
0xbe: {  	_ =	sfence.sel $0xFFFF  }
0xbf: {  	[dreg:$0x0] =	wrdreg $0xFFFFFFFF;
	(pc) =	sbr.abs _section_cstart, $3  }
0xc0: {  	[dreg:$0x1] =	wrdreg $0xFFFFFFFF  }
0xc1: {  	_ =	task.clear_ibuf [dreg:s7], $0x2FFFF;
	_ =	strace $0x9FFFFFFF  }
0xc2: {  	(tm) =	ssettm $0x7FFFFFFF  }
0xc3: {  	_ =	shalt  }
tec
execute0_lowered:
.L_overlay_start_1:
0x0: {  	(tag) =	ssettag $0x1  }
0x1: {  	s0 =	srdreg.scid;
	s1 =	rddreg [dreg:$0x0]  }
0x2: {  	s9 =	stileid.u32;
	s4 =	rddreg [dreg:$0x1]  }
0x3: {  	s14 =	simm.s32 $0x9;
	s15 =	simm.s32 $0x80;
	s16 =	simm.s32 $0x6E00  }
0x4: {  	s17 =	simm.s32 $0x8E00;
	s19 =	simm.s32 $0xAE00;
	s20 =	simm.s32 $0x1  }
0x5: {  	s22 =	simm.s32 $0xCE00;
	s28 =	simm.s32 $0x4;
	s29 =	simm.s32 $0x7  }
0x6: {  	s0 =	sand.u32 $0x1, s0;
	s2 =	sshll.u32 s9, $0x1;
	s9 =	smul.u32 $0xDC00, s9  }
0x7: {  	s3 =	sor.u32 s0, s2;
	s8 =	ssub.s32 $0x2, s0;
	s0 =	smul.u32 $0x6E00, s0  }
0x8: {  	s30 =	simm.s32 $0x8;
	s2 =	simm.s32 $0x0;
	s5 =	smul.u32 $0x6E00, s3  }
0x9: {  	s31 =	simm.s32 $0x0;
	[smem:$0x7FF] =	sst s2;
	s6 =	smul.u32 $0x37000, s3  }
0xa: {  	s7 =	smul.u32 $0x1B8000, s3;
	s3 =	sadd.s32 $0x1C000, s1;
	s23 =	sshrl.u32 s8, $0x1  }
0xb: {  	_ =	strace $0x80000047;
	s0 =	sadd.s32 s0, s9;
	s5 =	sshrl.u32 s5, $0x3  }
0xc: {  	s7 =	sshrl.u32 s7, $0x3;
	s0 =	sshll.u32 s0, $0x3;
	s5 =	sadd.s32 s5, s1  }
0xd: {  	s1 =	ssub.s32 s8, s23;
	s24 =	sadd.s32 s4, s7;
	s0 =	sadd.s32 s4, s0  }
0xe: {  	s23 =	simm.s32 $0x2;
	s5 =	sadd.s32 $0x800, s5;
	s26 =	sadd.s32 $0x36800, s24  }
0xf: {  	s9 =	smax.u32 s1, $0x1;
	s10 =	sadd.s32 $0xC00, s0;
	s11 =	sadd.s32 $0x800, s0  }
0x10: {  	s13 =	sadd.s32 $0x1000, s0;
	[dreg:$0x3] =	wrdreg s5;
	s5 =	sadd.s32 s4, s6  }
0x11: {  	[dreg:$0x5] =	wrdreg s26;
	s6 =	sadd.s32 $0x36C00, s24;
	s24 =	simm.s32 $0x5  }
0x12: {  	s26 =	simm.s32 $0x6;
	s25 =	sadd.s32 $0x400, s5;
	[dreg:$0x6] =	wrdreg s6  }
0x13: {  	s6 =	sadd.s32 $0x1400, s0;
	[dreg:$0x4] =	wrdreg s25;
	s25 =	simm.s32 $0x3  }
.LBB2_1:
0x14: {  	s0 =	rddreg [dreg:$0x3]  }
0x15: {  	[tilespmem:s2], [sflag:$0x9] =	stream.linear.gather [hbm4b:s0+s2], $0x6E00, $0x38;
	[tilespmem:$0xEE00] =	vst v63  }
0x16: {  	_ =	swait.ge [sflag:s14], $0x6E00  }
0x17: {  	[sflag:s14] =	ssyncset.done $0x0  }
0x18: {  	[sflag:s14] =	ssyncadd.s32 $0xFFFF9200  }
0x19: {  	[tilespmem:s16], [sflag:$0x1] =	stream.indirect.gather [hbm4b:s3+s15], $0x40, s2, s15, $0xb8;
	[tilespmem:$0xEE00] =	vst v63  }
0x1a: {  	_ = 	snop  }
0x1b: {  	[tilespmem:s17], [sflag:$0x2] =	stream.indirect.gather [hbm4b:s3+s15], $0x40, s15, s15, $0xb8;
	[tilespmem:$0xEE00] =	vst v63  }
0x1c: {  	s1 =	simm.s32 $0x100  }
0x1d: {  	[tilespmem:s19], [sflag:$0x3] =	stream.indirect.gather [hbm4b:s3+s15], $0x40, s1, s15, $0xb8;
	[tilespmem:$0xEE00] =	vst v63  }
0x1e: {  	_ =	swait.ge [sflag:s20], $0x2000  }
0x1f: {  	[sflag:s20] =	ssyncset.done $0x0  }
0x20: {  	[sflag:s20] =	ssyncadd.s32 $0xFFFFE000  }
0x21: {  	[hbm4b:s5+s2] =	stream.linear.scatter [tilespmem:s16], [sflag:$0x5], $0x2000, $0x38;
	[tilespmem:$0xEE00] =	vst v63  }
0x22: {  	s4 =	simm.s32 $0x180  }
0x23: {  	[tilespmem:s22], [sflag:$0x4] =	stream.indirect.gather [hbm4b:s3+s15], $0x40, s4, s15, $0xb8;
	[tilespmem:$0xEE00] =	vst v63  }
0x24: {  	_ =	swait.ge [sflag:s23], $0x2000  }
0x25: {  	[sflag:s23] =	ssyncset.done $0x0  }
0x26: {  	s7 =	rddreg [dreg:$0x4];
	[sflag:s23] =	ssyncadd.s32 $0xFFFFE000  }
0x27: {  	[hbm4b:s7+s2] =	stream.linear.scatter [tilespmem:s17], [sflag:$0x6], $0x2000, $0x38;
	[tilespmem:$0xEE00] =	vst v63  }
0x28: {  	_ =	swait.ge [sflag:s24], $0x2000  }
0x29: {  	[sflag:s24] =	ssyncset.done $0x0  }
0x2a: {  	s8 =	simm.s32 $0x200;
	[sflag:s24] =	ssyncadd.s32 $0xFFFFE000  }
0x2b: {  	[tilespmem:s16], [sflag:$0x1] =	stream.indirect.gather [hbm4b:s3+s15], $0x40, s8, s15, $0xb8;
	[tilespmem:$0xEE00] =	vst v63  }
0x2c: {  	_ =	swait.ge [sflag:s25], $0x2000  }
0x2d: {  	[sflag:s25] =	ssyncset.done $0x0  }
0x2e: {  	[sflag:s25] =	ssyncadd.s32 $0xFFFFE000  }
0x2f: {  	[hbm4b:s11+s2] =	stream.linear.scatter [tilespmem:s19], [sflag:$0x7], $0x2000, $0x38;
	[tilespmem:$0xEE00] =	vst v63  }
0x30: {  	_ =	swait.ge [sflag:s26], $0x2000  }
0x31: {  	[sflag:s26] =	ssyncset.done $0x0  }
0x32: {  	s12 =	simm.s32 $0x280;
	[sflag:s26] =	ssyncadd.s32 $0xFFFFE000  }
0x33: {  	[tilespmem:s17], [sflag:$0x2] =	stream.indirect.gather [hbm4b:s3+s15], $0x40, s12, s15, $0xb8;
	[tilespmem:$0xEE00] =	vst v63  }
0x34: {  	_ =	swait.ge [sflag:s28], $0x2000  }
0x35: {  	[sflag:s28] =	ssyncset.done $0x0  }
0x36: {  	[sflag:s28] =	ssyncadd.s32 $0xFFFFE000  }
0x37: {  	[hbm4b:s10+s2] =	stream.linear.scatter [tilespmem:s22], [sflag:$0x8], $0x2000, $0x38;
	[tilespmem:$0xEE00] =	vst v63  }
0x38: {  	_ =	swait.ge [sflag:s29], $0x2000  }
0x39: {  	[sflag:s29] =	ssyncset.done $0x0  }
0x3a: {  	s18 =	simm.s32 $0x300;
	[sflag:s29] =	ssyncadd.s32 $0xFFFFE000  }
0x3b: {  	[tilespmem:s19], [sflag:$0x3] =	stream.indirect.gather [hbm4b:s3+s15], $0x40, s18, s15, $0xb8;
	[tilespmem:$0xEE00] =	vst v63  }
0x3c: {  	_ =	swait.ge [sflag:s20], $0x2000  }
0x3d: {  	[sflag:s20] =	ssyncset.done $0x0  }
0x3e: {  	[sflag:s20] =	ssyncadd.s32 $0xFFFFE000  }
0x3f: {  	[hbm4b:s13+s2] =	stream.linear.scatter [tilespmem:s16], [sflag:$0x5], $0x2000, $0x38;
	[tilespmem:$0xEE00] =	vst v63  }
0x40: {  	_ =	swait.ge [sflag:s30], $0x2000  }
0x41: {  	[sflag:s30] =	ssyncset.done $0x0  }
0x42: {  	s21 =	simm.s32 $0x380;
	[sflag:s30] =	ssyncadd.s32 $0xFFFFE000  }
0x43: {  	[tilespmem:s22], [sflag:$0x4] =	stream.indirect.gather [hbm4b:s3+s15], $0x40, s21, s15, $0xb8;
	[tilespmem:$0xEE00] =	vst v63  }
0x44: {  	s0 =	sadd.s32 $0x1000, s6;
	s1 =	simm.s32 $0x800;
	_ =	swait.ge [sflag:s23], $0x2000  }
0x45: {  	s4 =	sadd.s32 $0x1000, s11;
	s12 =	smov.u32 s6;
	[sflag:s23] =	ssyncset.done $0x0  }
0x46: {  	s18 =	sadd.s32 $0x1000, s13;
	s21 =	sadd.s32 $0x1000, s10;
	[sflag:s23] =	ssyncadd.s32 $0xFFFFE000  }
.LBB2_2:
0x47: {  	[hbm4b:s12+s2] =	stream.linear.scatter [tilespmem:s17], [sflag:$0x6], $0x2000, $0x38;
	[tilespmem:$0xEE00] =	vst v63  }
0x48: {  	s7 =	smov.u32 s1;
	s12 =	smov.u32 s0  }
0x49: {  	p0 =	sne.s32 s1, $0x1A800;
	s1 =	sadd.s32 $0x800, s1;
	_ =	swait.ge [sflag:s24], $0x2000  }
0x4a: {  	s7 =	sshra.s32 s7, $0x2;
	[sflag:s24] =	ssyncset.done $0x0  }
0x4b: {  	s8 =	sadd.s32 $0x200, s7;
	[sflag:s24] =	ssyncadd.s32 $0xFFFFE000  }
0x4c: {  	[tilespmem:s16], [sflag:$0x1] =	stream.indirect.gather [hbm4b:s3+s15], $0x40, s8, s15, $0xb8;
	[tilespmem:$0xEE00] =	vst v63  }
0x4d: {  	_ =	swait.ge [sflag:s25], $0x2000  }
0x4e: {  	[sflag:s25] =	ssyncset.done $0x0  }
0x4f: {  	[sflag:s25] =	ssyncadd.s32 $0xFFFFE000  }
0x50: {  	[hbm4b:s4+s2] =	stream.linear.scatter [tilespmem:s19], [sflag:$0x7], $0x2000, $0x38;
	[tilespmem:$0xEE00] =	vst v63  }
0x51: {  	_ =	swait.ge [sflag:s26], $0x2000  }
0x52: {  	[sflag:s26] =	ssyncset.done $0x0  }
0x53: {  	s8 =	sadd.s32 $0x280, s7;
	[sflag:s26] =	ssyncadd.s32 $0xFFFFE000  }
0x54: {  	[tilespmem:s17], [sflag:$0x2] =	stream.indirect.gather [hbm4b:s3+s15], $0x40, s8, s15, $0xb8;
	[tilespmem:$0xEE00] =	vst v63  }
0x55: {  	_ =	swait.ge [sflag:s28], $0x2000  }
0x56: {  	[sflag:s28] =	ssyncset.done $0x0  }
0x57: {  	[sflag:s28] =	ssyncadd.s32 $0xFFFFE000  }
0x58: {  	[hbm4b:s21+s2] =	stream.linear.scatter [tilespmem:s22], [sflag:$0x8], $0x2000, $0x38;
	[tilespmem:$0xEE00] =	vst v63  }
0x59: {  	_ =	swait.ge [sflag:s29], $0x2000  }
0x5a: {  	[sflag:s29] =	ssyncset.done $0x0  }
0x5b: {  	s8 =	sadd.s32 $0x300, s7;
	[sflag:s29] =	ssyncadd.s32 $0xFFFFE000  }
0x5c: {  	[tilespmem:s19], [sflag:$0x3] =	stream.indirect.gather [hbm4b:s3+s15], $0x40, s8, s15, $0xb8;
	[tilespmem:$0xEE00] =	vst v63  }
0x5d: {  	_ =	swait.ge [sflag:s20], $0x2000  }
0x5e: {  	[sflag:s20] =	ssyncset.done $0x0  }
0x5f: {  	[sflag:s20] =	ssyncadd.s32 $0xFFFFE000  }
0x60: {  	[hbm4b:s18+s2] =	stream.linear.scatter [tilespmem:s16], [sflag:$0x5], $0x2000, $0x38;
	[tilespmem:$0xEE00] =	vst v63  }
0x61: {  	_ =	swait.ge [sflag:s30], $0x2000  }
0x62: {  	[sflag:s30] =	ssyncset.done $0x0  }
.Ltmp0:
0x63: {  	s7 =	sadd.s32 $0x380, s7;
	[sflag:s30] =	ssyncadd.s32 $0xFFFFE000;
	(pc) =	sbr.rel @p0 .LBB2_2-.Ltmp0, $4  }
0x64: {  	[tilespmem:s22], [sflag:$0x4] =	stream.indirect.gather [hbm4b:s3+s15], $0x40, s7, s15, $0xb8;
	[tilespmem:$0xEE00] =	vst v63  }
0x65: {  	_ =	swait.ge [sflag:s23], $0x2000  }
0x66: {  	s0 =	sadd.s32 $0x1000, s0;
	s18 =	sadd.s32 $0x1000, s18;
	[sflag:s23] =	ssyncset.done $0x0  }
0x67: {  	s4 =	sadd.s32 $0x1000, s4;
	s21 =	sadd.s32 $0x1000, s21;
	[sflag:s23] =	ssyncadd.s32 $0xFFFFE000  }
0x68: {  	[hbm4b:s12+s2] =	stream.linear.scatter [tilespmem:s17], [sflag:$0x6], $0x2000, $0x38;
	[tilespmem:$0xEE00] =	vst v63  }
0x69: {  	_ =	swait.ge [sflag:s25], $0x2000  }
0x6a: {  	[sflag:s25] =	ssyncset.done $0x0  }
0x6b: {  	s0 =	rddreg [dreg:$0x5];
	[sflag:s25] =	ssyncadd.s32 $0xFFFFE000  }
0x6c: {  	[hbm4b:s0+s2] =	stream.linear.scatter [tilespmem:s19], [sflag:$0x7], $0x2000, $0x38;
	[tilespmem:$0xEE00] =	vst v63  }
0x6d: {  	_ =	swait.ge [sflag:s28], $0x2000  }
0x6e: {  	[sflag:s28] =	ssyncset.done $0x0  }
0x6f: {  	s21 =	rddreg [dreg:$0x6];
	[sflag:s28] =	ssyncadd.s32 $0xFFFFE000  }
0x70: {  	[hbm4b:s21+s2] =	stream.linear.scatter [tilespmem:s22], [sflag:$0x8], $0x2000, $0x38;
	[tilespmem:$0xEE00] =	vst v63  }
0x71: {  	_ =	swait.ge [sflag:s24], $0x2000  }
0x72: {  	[sflag:s24] =	ssyncset.done $0x0  }
0x73: {  	[sflag:s24] =	ssyncadd.s32 $0xFFFFE000  }
0x74: {  	_ =	swait.ge [sflag:s26], $0x2000  }
0x75: {  	[sflag:s26] =	ssyncset.done $0x0  }
0x76: {  	s31 =	sadd.s32 $0x1, s31;
	[sflag:s26] =	ssyncadd.s32 $0xFFFFE000  }
0x77: {  	p0 =	sne.s32 s31, s9;
	_ =	swait.ge [sflag:s29], $0x2000  }
.Ltmp1:
0x78: {  	[sflag:s29] =	ssyncset.done $0x0;
	(pc) =	sbr.rel @p0 .LBB2_1-.Ltmp1, $4  }
0x79: {  	[sflag:s29] =	ssyncadd.s32 $0xFFFFE000  }
0x7a: {  	_ =	swait.ge [sflag:s30], $0x2000  }
0x7b: {  	[sflag:s30] =	ssyncset.done $0x0  }
0x7c: {  	[sflag:s30] =	ssyncadd.s32 $0xFFFFE000  }
0x7d: {  	_ =	sfence.sel $0x180000  }
0x7e: {  	[bflag:$0x0] =	sbarrier.arrive $0xFFFF  }
0x7f: {  	_ =	strace $0x90000047  }
0x80: {  	s0 =	stileid.u32;
	[bflag:$0x2] =	sbarrier.arrive $0xFFFF  }
0x81: {  	p0 =	sne.s32 s0, $0x0;
	s0 =	rddreg [dreg:$0x2]  }
0x82: {  	s0 =	sadd.s32 @!p0 $0x100000, s0  }
0x83: {  	[sflag:s0] =	ssyncadd.tile.s32 @!p0 $0x1;
	_ =	shalt  }
.Lfunc_end2:
_tile_overlayer_lowered:
.L_overlay_start_2:
0x84: {  	(tag) =	ssettag $0x2  }
0x85: {  	s0 =	rddreg [dreg:$0x0];
	s2 =	stileid.u32  }
0x86: {  	s1 =	rddreg [dreg:$0x1];
	p0 =	sne.s32 s2, $0x0  }
0x87: {  	s3 =	rddreg [dreg:$0x2];
	[bflag:$0x3] =	sbarrier.arrive $0xFFFF;
	s2 =	simm.s32 @!p0 $0x1C09  }
0x88: {  	[timem:s3], [sflag:s2] =	dma.local @!p0 [hbm:s0], s1  }
0x89: {  	s0 =	simm.s32 @!p0 $0x9  }
0x8a: {  	_ =	swait.ge @!p0 [sflag:s0], s1  }
0x8b: {  	s1 =	ssub.s32 @!p0 $0x0, s1;
	[sflag:s0] =	ssyncset.done @!p0 $0x0  }
0x8c: {  	[sflag:s0] =	ssyncadd.s32 @!p0 s1  }
0x8d: {  	[bflag:$0x3] =	sbarrier.arrive $0xFFFF  }
0x8e: {  	_ =	shalt  }

// kernel: sparse-core-data-format-call.cloned.1.call-start
scs
called_computation_lowered:
.L_overlay_start_0:
0x0: {  	s2 =	sld [smem:$0x3FD9]  }
0x1: {  	s3 =	sld [smem:$0x3FFE];
	_ =	sdelay $0x1  }
0x2: {  	s1 =	srdreg.scid  }
0x3: {  	s0 =	sand.u32 $0x1, s1  }
0x4: {  	s18 =	sshll.u32 s0, $0xA;
	s2 =	sadd.s32 s3, s2  }
0x5: {  	s2 =	sadd.s32 s2, s18  }
0x6: {  	[smem:$0x3FC5] =	sst s2  }
0x7: {  	_ = 	snop  }
0x8: {  	s2 =	sld [smem:$0x3FD0];
	(tm) =	ssettm $0x1  }
0x9: {  	s19 =	sld [smem:$0x3FFB];
	_ =	sdelay $0x3  }
0xa: {  	_ =	strace s19  }
0xb: {  	s3 =	sld [smem:$0x3FFC];
	_ =	sdelay $0x3  }
0xc: {  	_ =	strace s3  }
0xd: {  	s3 =	sld [smem:$0x3FFD];
	_ =	sdelay $0x3  }
0xe: {  	_ =	strace s3  }
0xf: {  	_ =	strace $0x8FFFFFFF  }
0x10: {  	s20 =	sld [smem:$0x3FDB];
	_ =	sdelay $0x1  }
0x11: {  	s4 =	simm.s32 $_scs_section_size  }
0x12: {  	s5 =	simm.s32 $_size__tile_overlayer_lowered;
	s6 =	simm.s32 $_tile_overlayer_lowered  }
0x13: {  	s23 =	simm.s32 $0x1BFF;
	s22 =	sshll.u32 s6, $0x1;
	s3 =	sadd.s32 s4, s20  }
0x14: {  	s7 =	simm.s32 $0x0;
	s21 =	sshll.u32 s5, $0x1;
	s5 =	sadd.s32 s22, s3  }
0x15: {  	[timem:s7], [sflag:s23] =	dma.local [hbm:s5], s21  }
0x16: {  	_ =	swait.ge [sflag:s23], s21  }
0x17: {  	s4 =	ssub.s32 $0x0, s21;
	[sflag:s23] =	ssyncset.done $0x0  }
0x18: {  	[sflag:s23] =	ssyncadd.s32 s4;
	_ =	sdelay $0x1  }
0x19: {  	s24 =	simm.s32 $0x1B8B  }
0x1a: {  	_ =	swait.ge [sflag:s24], $0x1  }
0x1b: {  	[sflag:s24] =	ssyncset.done $0x0  }
0x1c: {  	s26 =	simm.s32 $0x1B8E;
	s25 =	sld [smem:$0x3FFE];
	[sflag:s24] =	ssyncadd.s32 $0xFFFFFFFF  }
0x1d: {  	s27 =	simm.s32 $execute0_lowered;
	[smem:$0x3FD2] =	sst s26  }
0x1e: {  	s5 =	sshll.u32 s27, $0x1;
	_ =	strace $0x80000049;
	[dreg:$0x1] =	wrdreg $0xFFFFFFFF  }
0x1f: {  	s28 =	simm.s32 $_size_execute0_lowered;
	s3 =	sadd.s32 s3, s5;
	[dreg:$0x0] =	wrdreg $0x0  }
0x20: {  	s5 =	sshll.u32 s28, $0x1;
	[dreg:$0x2] =	wrdreg s3  }
0x21: {  	[dreg:$0x3] =	wrdreg s5  }
0x22: {  	[dreg:$0x4] =	wrdreg $0xC0  }
0x23: {  	_ =	task [dreg:s7], $0x5FFFF  }
0x24: {  	[dreg:$0x1] =	wrdreg $0xFFFFFFFF  }
0x25: {  	[dreg:$0x0] =	wrdreg $0x60  }
0x26: {  	[dreg:$0x2] =	wrdreg s25  }
0x27: {  	[dreg:$0x3] =	wrdreg s2  }
0x28: {  	[dreg:$0x4] =	wrdreg $0x9  }
0x29: {  	_ =	task.clear_ibuf [dreg:s7], $0x5FFFF;
	_ =	strace $0x90000049  }
0x2a: {  	s29 =	simm.s32 $0x9;
	_ =	strace $0x8000004B  }
0x2b: {  	_ =	swait.ge [sflag:s29], $0x1  }
0x2c: {  	[sflag:s29] =	ssyncadd.s32 $0xFFFFFFFF  }
0x2d: {  	_ =	strace $0x9000004B  }
0x2e: {  	_ =	sfence  }
0x2f: {  	s30 =	sld [smem:$0x0];
	_ =	sdelay $0x2  }
0x30: {  	s31 =	sshll.u32 s1, $0xD;
	s1 =	sshrl.u32 s1, $0x2  }
0x31: {  	s3 =	sand.u32 $0x4000, s31;
	s1 =	sadd.s32 s1, s30  }
0x32: {  	s0 =	sor.u32 s3, s0;
	s1 =	sshll.u32 s1, $0x11  }
0x33: {  	s0 =	sor.u32 s1, s0  }
0x34: {  	s0 =	sadd.s32 $0x8F2B, s0  }
0x35: {  	[sflag:s0] =	ssyncadd.remote.s32 $0x1  }
0x36: {  	_ =	sfence.sel $0xFFFF  }
0x37: {  	[dreg:$0x0] =	wrdreg $0xFFFFFFFF;
	(pc) =	sbr.abs _section_cstart, $3  }
0x38: {  	[dreg:$0x1] =	wrdreg $0xFFFFFFFF  }
0x39: {  	_ =	task.clear_ibuf [dreg:s7], $0x2FFFF;
	_ =	strace $0x9FFFFFFF  }
0x3a: {  	(tm) =	ssettm $0x7FFFFFFF  }
0x3b: {  	_ =	shalt  }
tec
execute0_lowered:
.L_overlay_start_1:
0x0: {  	(tag) =	ssettag $0x1  }
0x1: {  	s0 =	srdreg.scid  }
0x2: {  	s1 =	sshll.u32 s0, $0x4  }
0x3: {  	s0 =	stileid.u32;
	s1 =	sand.u32 $0x10, s1  }
0x4: {  	s1 =	sor.u32 s0, s1  }
0x5: {  	s6 =	rddreg [dreg:$0x0];
	s4 =	simm.s32 $0x1;
	s2 =	sshll.u32 s1, $0x7  }
0x6: {  	s7 =	simm.s32 $0x2;
	s12 =	simm.s32 $0x0;
	s1 =	ssub.s32 $0x1000, s2  }
0x7: {  	s8 =	simm.s32 $0x8000;
	s13 =	simm.s32 $0x0;
	s3 =	sand.u32 $0xF80, s1  }
0x8: {  	s9 =	simm.s32 $0x0;
	s5 =	sshrl.u32 s1, $0xC;
	p0 =	sne.s32 s3, $0x0  }
.Ltmp0:
0x9: {  	s1 =	rddreg [dreg:$0x2];
	s4 =	simm.s32 @!p0 $0x0;
	(pc) =	sbr.rel .LBB1_1-.Ltmp0, $4  }
0xa: {  	s11 =	simm.s32 $0x0;
	s3 =	rddreg [dreg:$0x1];
	s5 =	sadd.s32 s4, s5  }
0xb: {  	_ =	strace $0x8000004A;
	s4 =	simm.s32 $0x1;
	s5 =	smul.u32 $0xDC, s5  }
0xc: {  	s6 =	sadd.s32 $0x800, s6;
	s10 =	smov.u32 s2;
	[sflag:s4] =	ssyncpa.u1 $0x0  }
0xd: {  	p0 =	por $0x0, $0x0;
	[sflag:s7] =	ssyncpa.u1 $0x0;
	s7 =	sor.u32 $0x1, s5  }
.LBB1_4:
0xe: {  	s16 =	sshll.u32 s13, $0x3;
	s17 =	sand.u32 $0x78, s13  }
0xf: {  	s30 =	sand.u32 $0x7E00, s13;
	s12 =	sshll.u32 s12, $0xF;
	s16 =	sand.u32 $0xC00, s16  }
0x10: {  	[tilespmem:s15+$0x810 ss:$0x81] =	vst.msk $0xffff, v2;
	s31 =	sand.u32 $0x7, s13;
	s16 =	sor.u32 s17, s16;
	s17 =	sadd.s32 s3, s30  }
0x11: {  	[tilespmem:s15+$0x1020 ss:$0x81] =	vst.msk $0xffff, v0;
	s13 =	sshll.u32 s31, $0x12;
	s12 =	sadd.s32 s12, s17;
	s16 =	sshrl.u32 s16, $0x3  }
0x12: {  	[tilespmem:s15+$0x0 ss:$0x81] =	vst.msk $0xffff, v1;
	s13 =	sor.u32 $0x400, s13;
	s12 =	sadd.s32 s16, s12  }
0x13: {  	[hbm4b:s12+s13] =	stream.strided.scatter [tilespmem:s14], [sflag:$0x2], $0x2000, s8, s13, $0x20;
	[tilespmem:$0x8080] =	vst v63  }
.LBB1_5:
0x14: {  	s14 =	sadd.s32 $0x1, s9  }
0x15: {  	s12 =	sadd.s32 $0x1000, s10;
	s16 =	smov.u32 s10;
	p2 =	sgt.s32 s14, $0xDB  }
0x16: {  	s16 =	smov.u32 @p2 s12  }
0x17: {  	s14 =	simm.s32 @p2 $0x0;
	p2 =	sgt.s32 s16, $0xFFF  }
0x18: {  	s16 =	smov.u32 @p2 s2;
	p2 =	sne.s32 s11, s7  }
.Ltmp1:
0x19: {  	p1 =	slt.u32 s11, $0x2;
	(pc) =	sbr.rel @!p2 .LBB1_6-.Ltmp1, $4  }
0x1a: {  	s15 =	simm.s32 @!p1 $0x2  }
0x1b: {  	s13 =	smov.u32 s10;
	p0 =	por !p0, !p0;
	_ =	swait.ge @!p1 [sflag:s15], $0x2000  }
0x1c: {  	s12 =	smov.u32 s9;
	[sflag:s15] =	ssyncset.done @!p1 $0x0;
	s9 =	smov.u32 s14  }
0x1d: {  	s11 =	sadd.s32 $0x1, s11;
	[sflag:s15] =	ssyncadd.s32 @!p1 $0xFFFFE000;
	s10 =	smov.u32 s16  }
.LBB1_1:
0x1e: {  	p1 =	sge.u32 s11, s5  }
0x1f: {  	s14 =	sand.u32 @!p1 $0x1FFFFFF, s9  }
0x20: {  	s15 =	smulhi.u32 @!p1 $0x2492493, s14;
	_ =	sdelay $0x1  }
0x21: {  	s15 =	sshrl.u32 @!p1 s15, $0x1  }
0x22: {  	s15 =	smul.u32 @!p1 $0xE0, s15  }
0x23: {  	s16 =	sxor.u32 @!p1 $0xFFFFFFFF, s11;
	s17 =	smul.u32 @!p1 $0xE00, s10  }
0x24: {  	s31 =	sadd.s32 $0xFFFFFFFF, s11;
	s16 =	sshll.u32 @!p1 s16, $0xD;
	s14 =	ssub.s32 @!p1 s14, s15  }
0x25: {  	s15 =	sand.u32 @!p1 $0x2000, s16;
	s16 =	sadd.s32 @!p1 s6, s17;
	s14 =	sshll.u32 @!p1 s14, $0x4  }
0x26: {  	s17 =	simm.s32 @!p1 $0x7000;
	s14 =	sadd.s32 @!p1 s14, s16;
	s16 =	simm.s32 @!p1 $0x40  }
0x27: {  	[tilespmem:s15], [sflag:$0x1] =	stream.strided.gather @!p1 [hbm4b:s14+s16], $0x2000, s17, s16, $0x38;
	[tilespmem:$0x8080] =	vst v63  }
0x28: {  	p1 =	sge.u32 s31, s5  }
.Ltmp2:
0x29: {  	_ = 	snop;
	(pc) =	sbr.rel @p1 .LBB1_5-.Ltmp2, $1  }
0x2a: {  	_ =	sdelay $0x3  }
0x2b: {  	s14 =	simm.s32 $0x1  }
0x2c: {  	_ =	swait.ge [sflag:s4], $0x2000;
	s14 =	simm.s32 @!p0 $0x0  }
0x2d: {  	[sflag:s4] =	ssyncset.done $0x0;
	s15 =	sshll.u32 s14, $0xD  }
0x2e: {  	[sflag:s4] =	ssyncadd.s32 $0xFFFFE000;
	s18 =	sor.u32 $0x20, s15  }
0x2f: {  	s14 =	smul.u32 $0x8100, s14;
	v3 =	vld [tilespmem:s18+$0x10]  }
0x30: {  	s30 =	sand.u32 $0x1, s11;
	v2 =	vld [tilespmem:s18+$0xFFFFFFF0]  }
0x31: {  	s15 =	smul.u32 $0x8100, s30;
	s14 =	sshrl.u32 s14, $0x2;
	v0 =	vld [tilespmem:s18+$0x0]  }
0x32: {  	v1 =	vld [tilespmem:s18+$0xFFFFFFE0];
	s16 =	sor.u32 $0x4000, s14  }
0x33: {  	s31 =	sshrl.u32 s15, $0x2;
	s15 =	sadd.s32 $0x0, s16  }
0x34: {  	s17 =	simm.s32 $0x4;
	s18 =	sadd.s32 $0x40, s18;
	s14 =	sor.u32 $0x4000, s31;
	[tilespmem:s15+$0x1830 ss:$0x81] =	vst.msk $0xffff, v3  }
.LBB1_3:
0x35: {  	v3 =	vld [tilespmem:s18+$0x10];
	p1 =	sne.s32 s17, $0x1FC;
	[tilespmem:s15+$0x810 ss:$0x81] =	vst.msk $0xffff, v2;
	s19 =	smov.u32 s17;
	s17 =	sadd.s32 $0x4, s17  }
.Ltmp3:
0x36: {  	v2 =	vld [tilespmem:s18+$0xFFFFFFF0];
	[tilespmem:s15+$0x1020 ss:$0x81] =	vst.msk $0xffff, v0;
	(pc) =	sbr.rel @p1 .LBB1_3-.Ltmp3, $4  }
0x37: {  	v0 =	vld [tilespmem:s18+$0x0];
	[tilespmem:s15+$0x0 ss:$0x81] =	vst.msk $0xffff, v1  }
0x38: {  	s15 =	sshra.s32 s19, $0x2;
	v1 =	vld [tilespmem:s18+$0xFFFFFFE0]  }
0x39: {  	s15 =	sadd.s32 s15, s16  }
0x3a: {  	s18 =	sadd.s32 $0x40, s18;
	[tilespmem:s15+$0x1830 ss:$0x81] =	vst.msk $0xffff, v3  }
.Ltmp4:
0x3b: {  	_ = 	snop;
	(pc) =	sbr.rel .LBB1_4-.Ltmp4, $1  }
0x3c: {  	_ =	sdelay $0x3  }
.LBB1_6:
0x3d: {  	_ =	sfence.sel $0x180000  }
0x3e: {  	s2 =	simm.s32 $0x1;
	[bflag:$0x0] =	sbarrier.arrive $0xFFFF  }
0x3f: {  	s31 =	simm.s32 $0x2;
	[sflag:s2] =	ssyncpa.u1 $0x1  }
0x40: {  	[sflag:s31] =	ssyncpa.u1 $0x1  }
0x41: {  	p0 =	sne.s32 s0, $0x0;
	_ =	strace $0x9000004A  }
0x42: {  	s0 =	sadd.s32 @!p0 $0x100000, s1;
	[bflag:$0x2] =	sbarrier.arrive $0xFFFF  }
0x43: {  	[sflag:s0] =	ssyncadd.tile.s32 @!p0 $0x1;
	_ =	shalt  }
.Lfunc_end1:
_tile_overlayer_lowered:
.L_overlay_start_2:
0x44: {  	(tag) =	ssettag $0x2  }
0x45: {  	s0 =	rddreg [dreg:$0x0];
	s2 =	stileid.u32  }
0x46: {  	s1 =	rddreg [dreg:$0x1];
	p0 =	sne.s32 s2, $0x0  }
0x47: {  	s3 =	rddreg [dreg:$0x2];
	[bflag:$0x3] =	sbarrier.arrive $0xFFFF;
	s2 =	simm.s32 @!p0 $0x1C01  }
0x48: {  	[timem:s3], [sflag:s2] =	dma.local @!p0 [hbm:s0], s1  }
0x49: {  	s0 =	simm.s32 @!p0 $0x1  }
0x4a: {  	_ =	swait.ge @!p0 [sflag:s0], s1  }
0x4b: {  	s1 =	ssub.s32 @!p0 $0x0, s1;
	[sflag:s0] =	ssyncset.done @!p0 $0x0  }
0x4c: {  	[sflag:s0] =	ssyncadd.s32 @!p0 s1  }
0x4d: {  	[bflag:$0x3] =	sbarrier.arrive $0xFFFF  }
0x4e: {  	_ =	shalt  }

</sc_bundles>
